<compile_context>
chip_gen: v7x
topology: tpu7x:2x2x1
jax: 0.10.2.dev20260603
libtpu: 0.0.44.dev20260713+nightly
codegen_flags: <defaults>
</compile_context>

<pallas_src>
import functools

import jax
import jax.numpy as jnp
from jax import lax
from jax.experimental import pallas as pl
from jax.experimental.pallas import tpu as pltpu
from jax.experimental.pallas import tpu_sc as plsc

_DIM = 128
_MAX_POS = 16
_CHUNK = 128
_LANES = 16
_NSLOT = 3
_TC_IDX_ROWS = 64


def _worker_counts():
    try:
        info = plsc.get_sparse_core_info()
        return info.num_cores, info.num_subcores
    except Exception:
        return 2, 16


@functools.partial(jax.jit, static_argnames=("n_b",))
def _sc_gather_sin(pos2d, sin_cached, n_b):
    nc, ns = _worker_counts()
    nw = nc * ns
    b_per_w = n_b // nw
    n_chunks = b_per_w // _CHUNK
    assert b_per_w * nw == n_b and n_chunks * _CHUNK == b_per_w

    mesh = plsc.VectorSubcoreMesh(core_axis_name="c", subcore_axis_name="s")

    n_slots = min(n_chunks, 7)
    scratch = [
        pltpu.VMEM((n_chunks, _CHUNK), jnp.int32),
        pltpu.VMEM_SHARED((_MAX_POS, _DIM), jnp.float32),
        pltpu.VMEM((n_slots, _CHUNK, _DIM), jnp.float32),
        pltpu.SemaphoreType.DMA((n_slots,)),
        pltpu.SemaphoreType.DMA((n_slots,)),
    ]

    @functools.partial(
        pl.kernel,
        mesh=mesh,
        out_type=jax.ShapeDtypeStruct((n_b, _DIM), jnp.float32),
        scratch_types=scratch,
    )
    def body(idx_hbm, sin_hbm, sin_out, idx_v, sin_v, sbuf, gsem, ssem):
        wid = lax.axis_index("s") * nc + lax.axis_index("c")
        base = wid * b_per_w

        @pl.when(lax.axis_index("s") == 0)
        def _stage():
            pltpu.sync_copy(sin_hbm, sin_v)
        plsc.subcore_barrier()

        pltpu.sync_copy(idx_hbm.at[pl.ds(wid * n_chunks, n_chunks)], idx_v)
        for j in range(n_chunks):
            for i in range(_CHUNK // _LANES):
                sl = pl.ds(i * _LANES, _LANES)
                idx_v[j, sl] = lax.bitwise_and(idx_v[j, sl], _MAX_POS - 1)

        def start_gather(chunk, slot):
            return pltpu.async_copy(sin_v.at[idx_v.at[chunk]],
                                    sbuf.at[slot], gsem.at[slot])

        def start_store(chunk, slot):
            off = base + chunk * _CHUNK
            return pltpu.async_copy(sbuf.at[slot],
                                    sin_out.at[pl.ds(off, _CHUNK)],
                                    ssem.at[slot])

        gathers = [start_gather(c, c % n_slots)
                   for c in range(min(n_slots, n_chunks))]
        stores = []
        for chunk in range(n_chunks):
            slot = chunk % n_slots
            if chunk >= n_slots:
                stores[chunk - n_slots].wait()
                gathers.append(start_gather(chunk, slot))
            gathers[chunk].wait()
            stores.append(start_store(chunk, slot))
        for chunk in range(max(0, n_chunks - n_slots), n_chunks):
            stores[chunk].wait()

    return body(pos2d, sin_cached)


def _tc_gather(pos2d, table, n_b):
    rb = _TC_IDX_ROWS
    grid = n_b // (rb * _DIM)

    def body(idx_ref, tab_ref, out_ref):
        idx = idx_ref[...].astype(jnp.float32)
        idx = idx - jnp.floor(idx * (1.0 / _MAX_POS)) * _MAX_POS
        eye = jnp.eye(rb, dtype=jnp.float32)
        idxT = lax.dot_general(idx, eye, (((0,), (0,)), ((), ())),
                               preferred_element_type=jnp.float32)
        iota = lax.broadcasted_iota(jnp.int32, (1, _MAX_POS), 1).astype(
            jnp.float32)
        tab = tab_ref[...]
        for r in range(rb):
            col = lax.slice(idxT, (0, r), (_DIM, r + 1))
            onehot = (col == iota).astype(jnp.float32)
            out_ref[pl.ds(r * _DIM, _DIM), :] = jnp.dot(
                onehot, tab, preferred_element_type=jnp.float32)

    return pl.pallas_call(
        body,
        grid=(grid,),
        in_specs=[
            pl.BlockSpec((rb, _DIM), lambda i: (i, 0)),
            pl.BlockSpec((_MAX_POS, _DIM), lambda i: (0, 0)),
        ],
        out_specs=pl.BlockSpec((rb * _DIM, _DIM), lambda i: (i, 0)),
        out_shape=jax.ShapeDtypeStruct((n_b, _DIM), jnp.float32),
    )(pos2d, table)


def kernel(x, position_ids, cos_cached, sin_cached):
    pos2d = jnp.reshape(position_ids, (-1, _CHUNK))
    n_b = pos2d.shape[0] * _CHUNK
    sin = _sc_gather_sin(pos2d, sin_cached, n_b)
    cos = _tc_gather(pos2d, cos_cached, n_b)
    return (cos.astype(x.dtype), sin.astype(x.dtype))

# --- scband reference (transcript-rebuilt; emitter-appended) ---
"""Pipeline reference for scband-rotary-embedding-36086315221739 (READ-ONLY COPY).

The authoritative reference and input builder live on the scoring server;
editing this copy changes nothing except your own understanding.
"""

import jax, jax.numpy as jnp
import numpy as np

DIM = 128
MAX_POS = 16
BASE = 10000.0
SCALING = 1.0


def _build_cache():
    inv_freq = 1.0 / (BASE ** (jnp.arange(0, DIM, 2, dtype=jnp.float32) / DIM))
    t = jnp.arange(MAX_POS, dtype=jnp.float32) / SCALING
    freqs = jnp.outer(t, inv_freq)
    emb = jnp.concatenate([freqs, freqs], axis=-1)
    return jnp.cos(emb).astype(jnp.float32), jnp.sin(emb).astype(jnp.float32)


def setup_inputs(seed: int = 0):
    key = jax.random.key(seed)
    k1, k2 = jax.random.split(key)
    x = jax.random.normal(k1, (4, 8192, 2048), dtype=jnp.float32)
    position_ids = jax.random.randint(k2, (4, 8192), 0, 8192, dtype=jnp.int32)
    cos_cached, sin_cached = _build_cache()
    return {"x": x, "position_ids": position_ids, "cos_cached": cos_cached, "sin_cached": sin_cached}


def reference(x, position_ids, cos_cached, sin_cached):
    # position_ids.dim() > 1 -> flatten, then modulo max_position_embeddings
    pos = jnp.reshape(position_ids, (-1,)) % MAX_POS
    cos = jnp.take(cos_cached, pos, axis=0).astype(x.dtype)
    sin = jnp.take(sin_cached, pos, axis=0).astype(x.dtype)
    return (cos, sin)

if __name__ == "__main__":
    import jax
    _d = setup_inputs()
    print(jax.jit(kernel)(*tuple(_d.values())))

</pallas_src>

<mosaic_0001>
#map = affine_map<(d0, d1) -> (0, 0)>
module attributes {stable_mosaic.version = 14 : i64} {
  func.func @body(%arg0: i32, %arg1: i32, %arg2: memref<256x128xi32, #tpu.memory_space<hbm>>, %arg3: memref<16x128xf32, #tpu.memory_space<hbm>>, %arg4: memref<32768x128xf32, #tpu.memory_space<hbm>>, %arg5: memref<8x128xi32, #tpu.memory_space<vmem>>, %arg6: memref<16x128xf32, #tpu.memory_space<vmem_shared>>, %arg7: memref<7x128x128xf32, #tpu.memory_space<vmem>>, %arg8: memref<7x!tpu.dma_semaphore, #tpu.memory_space<semaphore_mem>>, %arg9: memref<7x!tpu.dma_semaphore, #tpu.memory_space<semaphore_mem>>) attributes {dimension_semantics = [#tpu.dimension_semantics<core_parallel>, #tpu.dimension_semantics<subcore_parallel>], iteration_bounds = array<i64: 2, 16>, scalar_prefetch = 0 : i64, scratch_operands = 5 : i64, tpu.core_type = #tpu.core_type<sc_vector_subcore>, window_params = [{transform_indices = #map}, {transform_indices = #map}, {transform_indices = #map}]} {
    %mul3A = arith.constant 2 : i32
    %mul3A_0 = arith.muli %arg1, %mul3A : i32
    %add3A = arith.addi %mul3A_0, %arg0 : i32
    %mul3A_1 = arith.constant 1024 : i32
    %mul3A_2 = arith.muli %add3A, %mul3A_1 : i32
    %eq3A = arith.constant 0 : i32
    %eq3A_3 = arith.cmpi eq, %arg1, %eq3A : i32
    %convert_element_type3A = arith.extui %eq3A_3 : i1 to i32
    %cond3A = arith.constant 0 : i32
    %cond3A_4 = arith.cmpi ne, %convert_element_type3A, %cond3A : i32
    scf.if %cond3A_4 {
      "tpu.region"() ({
        %run_scoped3A = tpu.sem_alloc : memref<!tpu.dma_semaphore, #tpu.memory_space<semaphore_mem>>
        tpu.enqueue_dma source(%arg3 : memref<16x128xf32, #tpu.memory_space<hbm>>) target(%arg6 : memref<16x128xf32, #tpu.memory_space<vmem_shared>>) target_semaphore(%run_scoped3A : memref<!tpu.dma_semaphore, #tpu.memory_space<semaphore_mem>>)
        tpu.wait_dma2 semaphore(%run_scoped3A : memref<!tpu.dma_semaphore, #tpu.memory_space<semaphore_mem>>) src(%arg3 : memref<16x128xf32, #tpu.memory_space<hbm>>) dst(%arg6 : memref<16x128xf32, #tpu.memory_space<vmem_shared>>)
        tpu.yield
      }) : () -> ()
    } else {
    }
    %barrier3A = arith.constant 0 : index
    tpu.barrier barrier_id(%barrier3A)
    %mul3A_5 = arith.constant 8 : i32
    %mul3A_6 = arith.muli %add3A, %mul3A_5 : i32
    "tpu.region"() ({
      %run_scoped3A = tpu.sem_alloc : memref<!tpu.dma_semaphore, #tpu.memory_space<semaphore_mem>>
      %dma_start3A_1410 = arith.constant 0 : i32
      %dma_start3A_1411 = tpu.memref_slice %arg2[%mul3A_6, %dma_start3A_1410] : memref<256x128xi32, #tpu.memory_space<hbm>> -> memref<8x128xi32, #tpu.memory_space<hbm>>
      %dma_start3A_1412 = arith.constant 0 : i32
      %dma_start3A_1413 = tpu.memref_slice %arg2[%mul3A_6, %dma_start3A_1412] : memref<256x128xi32, #tpu.memory_space<hbm>> -> memref<8x128xi32, #tpu.memory_space<hbm>>
      tpu.enqueue_dma source(%dma_start3A_1413 : memref<8x128xi32, #tpu.memory_space<hbm>>) target(%arg5 : memref<8x128xi32, #tpu.memory_space<vmem>>) target_semaphore(%run_scoped3A : memref<!tpu.dma_semaphore, #tpu.memory_space<semaphore_mem>>)
      %dma_wait3A_1414 = arith.constant 0 : i32
      %dma_wait3A_1415 = tpu.memref_slice %arg2[%mul3A_6, %dma_wait3A_1414] : memref<256x128xi32, #tpu.memory_space<hbm>> -> memref<8x128xi32, #tpu.memory_space<hbm>>
      %dma_wait3A_1416 = arith.constant 0 : i32
      %dma_wait3A_1417 = tpu.memref_slice %arg2[%mul3A_6, %dma_wait3A_1416] : memref<256x128xi32, #tpu.memory_space<hbm>> -> memref<8x128xi32, #tpu.memory_space<hbm>>
      tpu.wait_dma2 semaphore(%run_scoped3A : memref<!tpu.dma_semaphore, #tpu.memory_space<semaphore_mem>>) src(%dma_wait3A_1417 : memref<8x128xi32, #tpu.memory_space<hbm>>) dst(%arg5 : memref<8x128xi32, #tpu.memory_space<vmem>>)
      tpu.yield
    }) : () -> ()
    %get3A = arith.constant 0 : i32
    %get3A_7 = arith.index_cast %get3A : i32 to index
    %get3A_8 = arith.constant 0 : index
    %get3A_9 = tpu.vector_load %arg5[%get3A_7, %get3A_8] {strides = array<i32>} : memref<8x128xi32, #tpu.memory_space<vmem>>, vector<1x16xi32>,
    %get3A_10 = vector.shape_cast %get3A_9 : vector<1x16xi32> to vector<16xi32>
    %and3A = arith.constant 15 : i32
    %and3A_11 = vector.broadcast %and3A : i32 to vector<16xi32>
    %and3A_12 = arith.andi %get3A_10, %and3A_11 : vector<16xi32>
    %swap3A = arith.constant 0 : i32
    %swap3A_13 = arith.index_cast %swap3A : i32 to index
    %swap3A_14 = arith.constant 0 : index
    %swap3A_15 = tpu.vector_load %arg5[%swap3A_13, %swap3A_14] {strides = array<i32>} : memref<8x128xi32, #tpu.memory_space<vmem>>, vector<1x16xi32>,
    %swap3A_16 = vector.shape_cast %swap3A_15 : vector<1x16xi32> to vector<16xi32>
    %swap3A_17 = vector.shape_cast %and3A_12 : vector<16xi32> to vector<1x16xi32>
    tpu.vector_store %arg5[%swap3A_13, %swap3A_14], %swap3A_17 {strides = array<i32>} : memref<8x128xi32, #tpu.memory_space<vmem>>, vector<1x16xi32>,
    %get3A_18 = arith.constant 0 : i32
    %get3A_19 = arith.index_cast %get3A_18 : i32 to index
    %get3A_20 = arith.constant 16 : index
    %get3A_21 = tpu.vector_load %arg5[%get3A_19, %get3A_20] {strides = array<i32>} : memref<8x128xi32, #tpu.memory_space<vmem>>, vector<1x16xi32>,
    %get3A_22 = vector.shape_cast %get3A_21 : vector<1x16xi32> to vector<16xi32>
    %and3A_23 = arith.constant 15 : i32
    %and3A_24 = vector.broadcast %and3A_23 : i32 to vector<16xi32>
    %and3A_25 = arith.andi %get3A_22, %and3A_24 : vector<16xi32>
    %swap3A_26 = arith.constant 0 : i32
    %swap3A_27 = arith.index_cast %swap3A_26 : i32 to index
    %swap3A_28 = arith.constant 16 : index
    %swap3A_29 = tpu.vector_load %arg5[%swap3A_27, %swap3A_28] {strides = array<i32>} : memref<8x128xi32, #tpu.memory_space<vmem>>, vector<1x16xi32>,
    %swap3A_30 = vector.shape_cast %swap3A_29 : vector<1x16xi32> to vector<16xi32>
    %swap3A_31 = vector.shape_cast %and3A_25 : vector<16xi32> to vector<1x16xi32>
    tpu.vector_store %arg5[%swap3A_27, %swap3A_28], %swap3A_31 {strides = array<i32>} : memref<8x128xi32, #tpu.memory_space<vmem>>, vector<1x16xi32>,
    %get3A_32 = arith.constant 0 : i32
    %get3A_33 = arith.index_cast %get3A_32 : i32 to index
    %get3A_34 = arith.constant 32 : index
    %get3A_35 = tpu.vector_load %arg5[%get3A_33, %get3A_34] {strides = array<i32>} : memref<8x128xi32, #tpu.memory_space<vmem>>, vector<1x16xi32>,
    %get3A_36 = vector.shape_cast %get3A_35 : vector<1x16xi32> to vector<16xi32>
    %and3A_37 = arith.constant 15 : i32
    %and3A_38 = vector.broadcast %and3A_37 : i32 to vector<16xi32>
    %and3A_39 = arith.andi %get3A_36, %and3A_38 : vector<16xi32>
    %swap3A_40 = arith.constant 0 : i32
    %swap3A_41 = arith.index_cast %swap3A_40 : i32 to index
    %swap3A_42 = arith.constant 32 : index
    %swap3A_43 = tpu.vector_load %arg5[%swap3A_41, %swap3A_42] {strides = array<i32>} : memref<8x128xi32, #tpu.memory_space<vmem>>, vector<1x16xi32>,
    %swap3A_44 = vector.shape_cast %swap3A_43 : vector<1x16xi32> to vector<16xi32>
    %swap3A_45 = vector.shape_cast %and3A_39 : vector<16xi32> to vector<1x16xi32>
    tpu.vector_store %arg5[%swap3A_41, %swap3A_42], %swap3A_45 {strides = array<i32>} : memref<8x128xi32, #tpu.memory_space<vmem>>, vector<1x16xi32>,
    %get3A_46 = arith.constant 0 : i32
    %get3A_47 = arith.index_cast %get3A_46 : i32 to index
    %get3A_48 = arith.constant 48 : index
    %get3A_49 = tpu.vector_load %arg5[%get3A_47, %get3A_48] {strides = array<i32>} : memref<8x128xi32, #tpu.memory_space<vmem>>, vector<1x16xi32>,
    %get3A_50 = vector.shape_cast %get3A_49 : vector<1x16xi32> to vector<16xi32>
    %and3A_51 = arith.constant 15 : i32
    %and3A_52 = vector.broadcast %and3A_51 : i32 to vector<16xi32>
    %and3A_53 = arith.andi %get3A_50, %and3A_52 : vector<16xi32>
    %swap3A_54 = arith.constant 0 : i32
    %swap3A_55 = arith.index_cast %swap3A_54 : i32 to index
    %swap3A_56 = arith.constant 48 : index
    %swap3A_57 = tpu.vector_load %arg5[%swap3A_55, %swap3A_56] {strides = array<i32>} : memref<8x128xi32, #tpu.memory_space<vmem>>, vector<1x16xi32>,
    %swap3A_58 = vector.shape_cast %swap3A_57 : vector<1x16xi32> to vector<16xi32>
    %swap3A_59 = vector.shape_cast %and3A_53 : vector<16xi32> to vector<1x16xi32>
    tpu.vector_store %arg5[%swap3A_55, %swap3A_56], %swap3A_59 {strides = array<i32>} : memref<8x128xi32, #tpu.memory_space<vmem>>, vector<1x16xi32>,
    %get3A_60 = arith.constant 0 : i32
    %get3A_61 = arith.index_cast %get3A_60 : i32 to index
    %get3A_62 = arith.constant 64 : index
    %get3A_63 = tpu.vector_load %arg5[%get3A_61, %get3A_62] {strides = array<i32>} : memref<8x128xi32, #tpu.memory_space<vmem>>, vector<1x16xi32>,
    %get3A_64 = vector.shape_cast %get3A_63 : vector<1x16xi32> to vector<16xi32>
    %and3A_65 = arith.constant 15 : i32
    %and3A_66 = vector.broadcast %and3A_65 : i32 to vector<16xi32>
    %and3A_67 = arith.andi %get3A_64, %and3A_66 : vector<16xi32>
    %swap3A_68 = arith.constant 0 : i32
    %swap3A_69 = arith.index_cast %swap3A_68 : i32 to index
    %swap3A_70 = arith.constant 64 : index
    %swap3A_71 = tpu.vector_load %arg5[%swap3A_69, %swap3A_70] {strides = array<i32>} : memref<8x128xi32, #tpu.memory_space<vmem>>, vector<1x16xi32>,
    %swap3A_72 = vector.shape_cast %swap3A_71 : vector<1x16xi32> to vector<16xi32>
    %swap3A_73 = vector.shape_cast %and3A_67 : vector<16xi32> to vector<1x16xi32>
    tpu.vector_store %arg5[%swap3A_69, %swap3A_70], %swap3A_73 {strides = array<i32>} : memref<8x128xi32, #tpu.memory_space<vmem>>, vector<1x16xi32>,
    %get3A_74 = arith.constant 0 : i32
    %get3A_75 = arith.index_cast %get3A_74 : i32 to index
    %get3A_76 = arith.constant 80 : index
    %get3A_77 = tpu.vector_load %arg5[%get3A_75, %get3A_76] {strides = array<i32>} : memref<8x128xi32, #tpu.memory_space<vmem>>, vector<1x16xi32>,
    %get3A_78 = vector.shape_cast %get3A_77 : vector<1x16xi32> to vector<16xi32>
    %and3A_79 = arith.constant 15 : i32
    %and3A_80 = vector.broadcast %and3A_79 : i32 to vector<16xi32>
    %and3A_81 = arith.andi %get3A_78, %and3A_80 : vector<16xi32>
    %swap3A_82 = arith.constant 0 : i32
    %swap3A_83 = arith.index_cast %swap3A_82 : i32 to index
    %swap3A_84 = arith.constant 80 : index
    %swap3A_85 = tpu.vector_load %arg5[%swap3A_83, %swap3A_84] {strides = array<i32>} : memref<8x128xi32, #tpu.memory_space<vmem>>, vector<1x16xi32>,
    %swap3A_86 = vector.shape_cast %swap3A_85 : vector<1x16xi32> to vector<16xi32>
    %swap3A_87 = vector.shape_cast %and3A_81 : vector<16xi32> to vector<1x16xi32>
    tpu.vector_store %arg5[%swap3A_83, %swap3A_84], %swap3A_87 {strides = array<i32>} : memref<8x128xi32, #tpu.memory_space<vmem>>, vector<1x16xi32>,
    %get3A_88 = arith.constant 0 : i32
    %get3A_89 = arith.index_cast %get3A_88 : i32 to index
    %get3A_90 = arith.constant 96 : index
    %get3A_91 = tpu.vector_load %arg5[%get3A_89, %get3A_90] {strides = array<i32>} : memref<8x128xi32, #tpu.memory_space<vmem>>, vector<1x16xi32>,
    %get3A_92 = vector.shape_cast %get3A_91 : vector<1x16xi32> to vector<16xi32>
    %and3A_93 = arith.constant 15 : i32
    %and3A_94 = vector.broadcast %and3A_93 : i32 to vector<16xi32>
    %and3A_95 = arith.andi %get3A_92, %and3A_94 : vector<16xi32>
    %swap3A_96 = arith.constant 0 : i32
    %swap3A_97 = arith.index_cast %swap3A_96 : i32 to index
    %swap3A_98 = arith.constant 96 : index
    %swap3A_99 = tpu.vector_load %arg5[%swap3A_97, %swap3A_98] {strides = array<i32>} : memref<8x128xi32, #tpu.memory_space<vmem>>, vector<1x16xi32>,
    %swap3A_100 = vector.shape_cast %swap3A_99 : vector<1x16xi32> to vector<16xi32>
    %swap3A_101 = vector.shape_cast %and3A_95 : vector<16xi32> to vector<1x16xi32>
    tpu.vector_store %arg5[%swap3A_97, %swap3A_98], %swap3A_101 {strides = array<i32>} : memref<8x128xi32, #tpu.memory_space<vmem>>, vector<1x16xi32>,
    %get3A_102 = arith.constant 0 : i32
    %get3A_103 = arith.index_cast %get3A_102 : i32 to index
    %get3A_104 = arith.constant 112 : index
    %get3A_105 = tpu.vector_load %arg5[%get3A_103, %get3A_104] {strides = array<i32>} : memref<8x128xi32, #tpu.memory_space<vmem>>, vector<1x16xi32>,
    %get3A_106 = vector.shape_cast %get3A_105 : vector<1x16xi32> to vector<16xi32>
    %and3A_107 = arith.constant 15 : i32
    %and3A_108 = vector.broadcast %and3A_107 : i32 to vector<16xi32>
    %and3A_109 = arith.andi %get3A_106, %and3A_108 : vector<16xi32>
    %swap3A_110 = arith.constant 0 : i32
    %swap3A_111 = arith.index_cast %swap3A_110 : i32 to index
    %swap3A_112 = arith.constant 112 : index
    %swap3A_113 = tpu.vector_load %arg5[%swap3A_111, %swap3A_112] {strides = array<i32>} : memref<8x128xi32, #tpu.memory_space<vmem>>, vector<1x16xi32>,
    %swap3A_114 = vector.shape_cast %swap3A_113 : vector<1x16xi32> to vector<16xi32>
    %swap3A_115 = vector.shape_cast %and3A_109 : vector<16xi32> to vector<1x16xi32>
    tpu.vector_store %arg5[%swap3A_111, %swap3A_112], %swap3A_115 {strides = array<i32>} : memref<8x128xi32, #tpu.memory_space<vmem>>, vector<1x16xi32>,
    %get3A_116 = arith.constant 1 : i32
    %get3A_117 = arith.index_cast %get3A_116 : i32 to index
    %get3A_118 = arith.constant 0 : index
    %get3A_119 = tpu.vector_load %arg5[%get3A_117, %get3A_118] {strides = array<i32>} : memref<8x128xi32, #tpu.memory_space<vmem>>, vector<1x16xi32>,
    %get3A_120 = vector.shape_cast %get3A_119 : vector<1x16xi32> to vector<16xi32>
    %and3A_121 = arith.constant 15 : i32
    %and3A_122 = vector.broadcast %and3A_121 : i32 to vector<16xi32>
    %and3A_123 = arith.andi %get3A_120, %and3A_122 : vector<16xi32>
    %swap3A_124 = arith.constant 1 : i32
    %swap3A_125 = arith.index_cast %swap3A_124 : i32 to index
    %swap3A_126 = arith.constant 0 : index
    %swap3A_127 = tpu.vector_load %arg5[%swap3A_125, %swap3A_126] {strides = array<i32>} : memref<8x128xi32, #tpu.memory_space<vmem>>, vector<1x16xi32>,
    %swap3A_128 = vector.shape_cast %swap3A_127 : vector<1x16xi32> to vector<16xi32>
    %swap3A_129 = vector.shape_cast %and3A_123 : vector<16xi32> to vector<1x16xi32>
    tpu.vector_store %arg5[%swap3A_125, %swap3A_126], %swap3A_129 {strides = array<i32>} : memref<8x128xi32, #tpu.memory_space<vmem>>, vector<1x16xi32>,
    %get3A_130 = arith.constant 1 : i32
    %get3A_131 = arith.index_cast %get3A_130 : i32 to index
    %get3A_132 = arith.constant 16 : index
    %get3A_133 = tpu.vector_load %arg5[%get3A_131, %get3A_132] {strides = array<i32>} : memref<8x128xi32, #tpu.memory_space<vmem>>, vector<1x16xi32>,
    %get3A_134 = vector.shape_cast %get3A_133 : vector<1x16xi32> to vector<16xi32>
    %and3A_135 = arith.constant 15 : i32
    %and3A_136 = vector.broadcast %and3A_135 : i32 to vector<16xi32>
    %and3A_137 = arith.andi %get3A_134, %and3A_136 : vector<16xi32>
    %swap3A_138 = arith.constant 1 : i32
    %swap3A_139 = arith.index_cast %swap3A_138 : i32 to index
    %swap3A_140 = arith.constant 16 : index
    %swap3A_141 = tpu.vector_load %arg5[%swap3A_139, %swap3A_140] {strides = array<i32>} : memref<8x128xi32, #tpu.memory_space<vmem>>, vector<1x16xi32>,
    %swap3A_142 = vector.shape_cast %swap3A_141 : vector<1x16xi32> to vector<16xi32>
    %swap3A_143 = vector.shape_cast %and3A_137 : vector<16xi32> to vector<1x16xi32>
    tpu.vector_store %arg5[%swap3A_139, %swap3A_140], %swap3A_143 {strides = array<i32>} : memref<8x128xi32, #tpu.memory_space<vmem>>, vector<1x16xi32>,
    %get3A_144 = arith.constant 1 : i32
    %get3A_145 = arith.index_cast %get3A_144 : i32 to index
    %get3A_146 = arith.constant 32 : index
    %get3A_147 = tpu.vector_load %arg5[%get3A_145, %get3A_146] {strides = array<i32>} : memref<8x128xi32, #tpu.memory_space<vmem>>, vector<1x16xi32>,
    %get3A_148 = vector.shape_cast %get3A_147 : vector<1x16xi32> to vector<16xi32>
    %and3A_149 = arith.constant 15 : i32
    %and3A_150 = vector.broadcast %and3A_149 : i32 to vector<16xi32>
    %and3A_151 = arith.andi %get3A_148, %and3A_150 : vector<16xi32>
    %swap3A_152 = arith.constant 1 : i32
    %swap3A_153 = arith.index_cast %swap3A_152 : i32 to index
    %swap3A_154 = arith.constant 32 : index
    %swap3A_155 = tpu.vector_load %arg5[%swap3A_153, %swap3A_154] {strides = array<i32>} : memref<8x128xi32, #tpu.memory_space<vmem>>, vector<1x16xi32>,
    %swap3A_156 = vector.shape_cast %swap3A_155 : vector<1x16xi32> to vector<16xi32>
    %swap3A_157 = vector.shape_cast %and3A_151 : vector<16xi32> to vector<1x16xi32>
    tpu.vector_store %arg5[%swap3A_153, %swap3A_154], %swap3A_157 {strides = array<i32>} : memref<8x128xi32, #tpu.memory_space<vmem>>, vector<1x16xi32>,
    %get3A_158 = arith.constant 1 : i32
    %get3A_159 = arith.index_cast %get3A_158 : i32 to index
    %get3A_160 = arith.constant 48 : index
    %get3A_161 = tpu.vector_load %arg5[%get3A_159, %get3A_160] {strides = array<i32>} : memref<8x128xi32, #tpu.memory_space<vmem>>, vector<1x16xi32>,
    %get3A_162 = vector.shape_cast %get3A_161 : vector<1x16xi32> to vector<16xi32>
    %and3A_163 = arith.constant 15 : i32
    %and3A_164 = vector.broadcast %and3A_163 : i32 to vector<16xi32>
    %and3A_165 = arith.andi %get3A_162, %and3A_164 : vector<16xi32>
    %swap3A_166 = arith.constant 1 : i32
    %swap3A_167 = arith.index_cast %swap3A_166 : i32 to index
    %swap3A_168 = arith.constant 48 : index
    %swap3A_169 = tpu.vector_load %arg5[%swap3A_167, %swap3A_168] {strides = array<i32>} : memref<8x128xi32, #tpu.memory_space<vmem>>, vector<1x16xi32>,
    %swap3A_170 = vector.shape_cast %swap3A_169 : vector<1x16xi32> to vector<16xi32>
    %swap3A_171 = vector.shape_cast %and3A_165 : vector<16xi32> to vector<1x16xi32>
    tpu.vector_store %arg5[%swap3A_167, %swap3A_168], %swap3A_171 {strides = array<i32>} : memref<8x128xi32, #tpu.memory_space<vmem>>, vector<1x16xi32>,
    %get3A_172 = arith.constant 1 : i32
    %get3A_173 = arith.index_cast %get3A_172 : i32 to index
    %get3A_174 = arith.constant 64 : index
    %get3A_175 = tpu.vector_load %arg5[%get3A_173, %get3A_174] {strides = array<i32>} : memref<8x128xi32, #tpu.memory_space<vmem>>, vector<1x16xi32>,
    %get3A_176 = vector.shape_cast %get3A_175 : vector<1x16xi32> to vector<16xi32>
    %and3A_177 = arith.constant 15 : i32
    %and3A_178 = vector.broadcast %and3A_177 : i32 to vector<16xi32>
    %and3A_179 = arith.andi %get3A_176, %and3A_178 : vector<16xi32>
    %swap3A_180 = arith.constant 1 : i32
    %swap3A_181 = arith.index_cast %swap3A_180 : i32 to index
    %swap3A_182 = arith.constant 64 : index
    %swap3A_183 = tpu.vector_load %arg5[%swap3A_181, %swap3A_182] {strides = array<i32>} : memref<8x128xi32, #tpu.memory_space<vmem>>, vector<1x16xi32>,
    %swap3A_184 = vector.shape_cast %swap3A_183 : vector<1x16xi32> to vector<16xi32>
    %swap3A_185 = vector.shape_cast %and3A_179 : vector<16xi32> to vector<1x16xi32>
    tpu.vector_store %arg5[%swap3A_181, %swap3A_182], %swap3A_185 {strides = array<i32>} : memref<8x128xi32, #tpu.memory_space<vmem>>, vector<1x16xi32>,
    %get3A_186 = arith.constant 1 : i32
    %get3A_187 = arith.index_cast %get3A_186 : i32 to index
    %get3A_188 = arith.constant 80 : index
    %get3A_189 = tpu.vector_load %arg5[%get3A_187, %get3A_188] {strides = array<i32>} : memref<8x128xi32, #tpu.memory_space<vmem>>, vector<1x16xi32>,
    %get3A_190 = vector.shape_cast %get3A_189 : vector<1x16xi32> to vector<16xi32>
    %and3A_191 = arith.constant 15 : i32
    %and3A_192 = vector.broadcast %and3A_191 : i32 to vector<16xi32>
    %and3A_193 = arith.andi %get3A_190, %and3A_192 : vector<16xi32>
    %swap3A_194 = arith.constant 1 : i32
    %swap3A_195 = arith.index_cast %swap3A_194 : i32 to index
    %swap3A_196 = arith.constant 80 : index
    %swap3A_197 = tpu.vector_load %arg5[%swap3A_195, %swap3A_196] {strides = array<i32>} : memref<8x128xi32, #tpu.memory_space<vmem>>, vector<1x16xi32>,
    %swap3A_198 = vector.shape_cast %swap3A_197 : vector<1x16xi32> to vector<16xi32>
    %swap3A_199 = vector.shape_cast %and3A_193 : vector<16xi32> to vector<1x16xi32>
    tpu.vector_store %arg5[%swap3A_195, %swap3A_196], %swap3A_199 {strides = array<i32>} : memref<8x128xi32, #tpu.memory_space<vmem>>, vector<1x16xi32>,
    %get3A_200 = arith.constant 1 : i32
    %get3A_201 = arith.index_cast %get3A_200 : i32 to index
    %get3A_202 = arith.constant 96 : index
    %get3A_203 = tpu.vector_load %arg5[%get3A_201, %get3A_202] {strides = array<i32>} : memref<8x128xi32, #tpu.memory_space<vmem>>, vector<1x16xi32>,
    %get3A_204 = vector.shape_cast %get3A_203 : vector<1x16xi32> to vector<16xi32>
    %and3A_205 = arith.constant 15 : i32
    %and3A_206 = vector.broadcast %and3A_205 : i32 to vector<16xi32>
    %and3A_207 = arith.andi %get3A_204, %and3A_206 : vector<16xi32>
    %swap3A_208 = arith.constant 1 : i32
    %swap3A_209 = arith.index_cast %swap3A_208 : i32 to index
    %swap3A_210 = arith.constant 96 : index
    %swap3A_211 = tpu.vector_load %arg5[%swap3A_209, %swap3A_210] {strides = array<i32>} : memref<8x128xi32, #tpu.memory_space<vmem>>, vector<1x16xi32>,
    %swap3A_212 = vector.shape_cast %swap3A_211 : vector<1x16xi32> to vector<16xi32>
    %swap3A_213 = vector.shape_cast %and3A_207 : vector<16xi32> to vector<1x16xi32>
    tpu.vector_store %arg5[%swap3A_209, %swap3A_210], %swap3A_213 {strides = array<i32>} : memref<8x128xi32, #tpu.memory_space<vmem>>, vector<1x16xi32>,
    %get3A_214 = arith.constant 1 : i32
    %get3A_215 = arith.index_cast %get3A_214 : i32 to index
    %get3A_216 = arith.constant 112 : index
    %get3A_217 = tpu.vector_load %arg5[%get3A_215, %get3A_216] {strides = array<i32>} : memref<8x128xi32, #tpu.memory_space<vmem>>, vector<1x16xi32>,
    %get3A_218 = vector.shape_cast %get3A_217 : vector<1x16xi32> to vector<16xi32>
    %and3A_219 = arith.constant 15 : i32
    %and3A_220 = vector.broadcast %and3A_219 : i32 to vector<16xi32>
    %and3A_221 = arith.andi %get3A_218, %and3A_220 : vector<16xi32>
    %swap3A_222 = arith.constant 1 : i32
    %swap3A_223 = arith.index_cast %swap3A_222 : i32 to index
    %swap3A_224 = arith.constant 112 : index
    %swap3A_225 = tpu.vector_load %arg5[%swap3A_223, %swap3A_224] {strides = array<i32>} : memref<8x128xi32, #tpu.memory_space<vmem>>, vector<1x16xi32>,
    %swap3A_226 = vector.shape_cast %swap3A_225 : vector<1x16xi32> to vector<16xi32>
    %swap3A_227 = vector.shape_cast %and3A_221 : vector<16xi32> to vector<1x16xi32>
    tpu.vector_store %arg5[%swap3A_223, %swap3A_224], %swap3A_227 {strides = array<i32>} : memref<8x128xi32, #tpu.memory_space<vmem>>, vector<1x16xi32>,
    %get3A_228 = arith.constant 2 : i32
    %get3A_229 = arith.index_cast %get3A_228 : i32 to index
    %get3A_230 = arith.constant 0 : index
    %get3A_231 = tpu.vector_load %arg5[%get3A_229, %get3A_230] {strides = array<i32>} : memref<8x128xi32, #tpu.memory_space<vmem>>, vector<1x16xi32>,
    %get3A_232 = vector.shape_cast %get3A_231 : vector<1x16xi32> to vector<16xi32>
    %and3A_233 = arith.constant 15 : i32
    %and3A_234 = vector.broadcast %and3A_233 : i32 to vector<16xi32>
    %and3A_235 = arith.andi %get3A_232, %and3A_234 : vector<16xi32>
    %swap3A_236 = arith.constant 2 : i32
    %swap3A_237 = arith.index_cast %swap3A_236 : i32 to index
    %swap3A_238 = arith.constant 0 : index
    %swap3A_239 = tpu.vector_load %arg5[%swap3A_237, %swap3A_238] {strides = array<i32>} : memref<8x128xi32, #tpu.memory_space<vmem>>, vector<1x16xi32>,
    %swap3A_240 = vector.shape_cast %swap3A_239 : vector<1x16xi32> to vector<16xi32>
    %swap3A_241 = vector.shape_cast %and3A_235 : vector<16xi32> to vector<1x16xi32>
    tpu.vector_store %arg5[%swap3A_237, %swap3A_238], %swap3A_241 {strides = array<i32>} : memref<8x128xi32, #tpu.memory_space<vmem>>, vector<1x16xi32>,
    %get3A_242 = arith.constant 2 : i32
    %get3A_243 = arith.index_cast %get3A_242 : i32 to index
    %get3A_244 = arith.constant 16 : index
    %get3A_245 = tpu.vector_load %arg5[%get3A_243, %get3A_244] {strides = array<i32>} : memref<8x128xi32, #tpu.memory_space<vmem>>, vector<1x16xi32>,
    %get3A_246 = vector.shape_cast %get3A_245 : vector<1x16xi32> to vector<16xi32>
    %and3A_247 = arith.constant 15 : i32
    %and3A_248 = vector.broadcast %and3A_247 : i32 to vector<16xi32>
    %and3A_249 = arith.andi %get3A_246, %and3A_248 : vector<16xi32>
    %swap3A_250 = arith.constant 2 : i32
    %swap3A_251 = arith.index_cast %swap3A_250 : i32 to index
    %swap3A_252 = arith.constant 16 : index
    %swap3A_253 = tpu.vector_load %arg5[%swap3A_251, %swap3A_252] {strides = array<i32>} : memref<8x128xi32, #tpu.memory_space<vmem>>, vector<1x16xi32>,
    %swap3A_254 = vector.shape_cast %swap3A_253 : vector<1x16xi32> to vector<16xi32>
    %swap3A_255 = vector.shape_cast %and3A_249 : vector<16xi32> to vector<1x16xi32>
    tpu.vector_store %arg5[%swap3A_251, %swap3A_252], %swap3A_255 {strides = array<i32>} : memref<8x128xi32, #tpu.memory_space<vmem>>, vector<1x16xi32>,
    %get3A_256 = arith.constant 2 : i32
    %get3A_257 = arith.index_cast %get3A_256 : i32 to index
    %get3A_258 = arith.constant 32 : index
    %get3A_259 = tpu.vector_load %arg5[%get3A_257, %get3A_258] {strides = array<i32>} : memref<8x128xi32, #tpu.memory_space<vmem>>, vector<1x16xi32>,
    %get3A_260 = vector.shape_cast %get3A_259 : vector<1x16xi32> to vector<16xi32>
    %and3A_261 = arith.constant 15 : i32
    %and3A_262 = vector.broadcast %and3A_261 : i32 to vector<16xi32>
    %and3A_263 = arith.andi %get3A_260, %and3A_262 : vector<16xi32>
    %swap3A_264 = arith.constant 2 : i32
    %swap3A_265 = arith.index_cast %swap3A_264 : i32 to index
    %swap3A_266 = arith.constant 32 : index
    %swap3A_267 = tpu.vector_load %arg5[%swap3A_265, %swap3A_266] {strides = array<i32>} : memref<8x128xi32, #tpu.memory_space<vmem>>, vector<1x16xi32>,
    %swap3A_268 = vector.shape_cast %swap3A_267 : vector<1x16xi32> to vector<16xi32>
    %swap3A_269 = vector.shape_cast %and3A_263 : vector<16xi32> to vector<1x16xi32>
    tpu.vector_store %arg5[%swap3A_265, %swap3A_266], %swap3A_269 {strides = array<i32>} : memref<8x128xi32, #tpu.memory_space<vmem>>, vector<1x16xi32>,
    %get3A_270 = arith.constant 2 : i32
    %get3A_271 = arith.index_cast %get3A_270 : i32 to index
    %get3A_272 = arith.constant 48 : index
    %get3A_273 = tpu.vector_load %arg5[%get3A_271, %get3A_272] {strides = array<i32>} : memref<8x128xi32, #tpu.memory_space<vmem>>, vector<1x16xi32>,
    %get3A_274 = vector.shape_cast %get3A_273 : vector<1x16xi32> to vector<16xi32>
    %and3A_275 = arith.constant 15 : i32
    %and3A_276 = vector.broadcast %and3A_275 : i32 to vector<16xi32>
    %and3A_277 = arith.andi %get3A_274, %and3A_276 : vector<16xi32>
    %swap3A_278 = arith.constant 2 : i32
    %swap3A_279 = arith.index_cast %swap3A_278 : i32 to index
    %swap3A_280 = arith.constant 48 : index
    %swap3A_281 = tpu.vector_load %arg5[%swap3A_279, %swap3A_280] {strides = array<i32>} : memref<8x128xi32, #tpu.memory_space<vmem>>, vector<1x16xi32>,
    %swap3A_282 = vector.shape_cast %swap3A_281 : vector<1x16xi32> to vector<16xi32>
    %swap3A_283 = vector.shape_cast %and3A_277 : vector<16xi32> to vector<1x16xi32>
    tpu.vector_store %arg5[%swap3A_279, %swap3A_280], %swap3A_283 {strides = array<i32>} : memref<8x128xi32, #tpu.memory_space<vmem>>, vector<1x16xi32>,
    %get3A_284 = arith.constant 2 : i32
    %get3A_285 = arith.index_cast %get3A_284 : i32 to index
    %get3A_286 = arith.constant 64 : index
    %get3A_287 = tpu.vector_load %arg5[%get3A_285, %get3A_286] {strides = array<i32>} : memref<8x128xi32, #tpu.memory_space<vmem>>, vector<1x16xi32>,
    %get3A_288 = vector.shape_cast %get3A_287 : vector<1x16xi32> to vector<16xi32>
    %and3A_289 = arith.constant 15 : i32
    %and3A_290 = vector.broadcast %and3A_289 : i32 to vector<16xi32>
    %and3A_291 = arith.andi %get3A_288, %and3A_290 : vector<16xi32>
    %swap3A_292 = arith.constant 2 : i32
    %swap3A_293 = arith.index_cast %swap3A_292 : i32 to index
    %swap3A_294 = arith.constant 64 : index
    %swap3A_295 = tpu.vector_load %arg5[%swap3A_293, %swap3A_294] {strides = array<i32>} : memref<8x128xi32, #tpu.memory_space<vmem>>, vector<1x16xi32>,
    %swap3A_296 = vector.shape_cast %swap3A_295 : vector<1x16xi32> to vector<16xi32>
    %swap3A_297 = vector.shape_cast %and3A_291 : vector<16xi32> to vector<1x16xi32>
    tpu.vector_store %arg5[%swap3A_293, %swap3A_294], %swap3A_297 {strides = array<i32>} : memref<8x128xi32, #tpu.memory_space<vmem>>, vector<1x16xi32>,
    %get3A_298 = arith.constant 2 : i32
    %get3A_299 = arith.index_cast %get3A_298 : i32 to index
    %get3A_300 = arith.constant 80 : index
    %get3A_301 = tpu.vector_load %arg5[%get3A_299, %get3A_300] {strides = array<i32>} : memref<8x128xi32, #tpu.memory_space<vmem>>, vector<1x16xi32>,
    %get3A_302 = vector.shape_cast %get3A_301 : vector<1x16xi32> to vector<16xi32>
    %and3A_303 = arith.constant 15 : i32
    %and3A_304 = vector.broadcast %and3A_303 : i32 to vector<16xi32>
    %and3A_305 = arith.andi %get3A_302, %and3A_304 : vector<16xi32>
    %swap3A_306 = arith.constant 2 : i32
    %swap3A_307 = arith.index_cast %swap3A_306 : i32 to index
    %swap3A_308 = arith.constant 80 : index
    %swap3A_309 = tpu.vector_load %arg5[%swap3A_307, %swap3A_308] {strides = array<i32>} : memref<8x128xi32, #tpu.memory_space<vmem>>, vector<1x16xi32>,
    %swap3A_310 = vector.shape_cast %swap3A_309 : vector<1x16xi32> to vector<16xi32>
    %swap3A_311 = vector.shape_cast %and3A_305 : vector<16xi32> to vector<1x16xi32>
    tpu.vector_store %arg5[%swap3A_307, %swap3A_308], %swap3A_311 {strides = array<i32>} : memref<8x128xi32, #tpu.memory_space<vmem>>, vector<1x16xi32>,
    %get3A_312 = arith.constant 2 : i32
    %get3A_313 = arith.index_cast %get3A_312 : i32 to index
    %get3A_314 = arith.constant 96 : index
    %get3A_315 = tpu.vector_load %arg5[%get3A_313, %get3A_314] {strides = array<i32>} : memref<8x128xi32, #tpu.memory_space<vmem>>, vector<1x16xi32>,
    %get3A_316 = vector.shape_cast %get3A_315 : vector<1x16xi32> to vector<16xi32>
    %and3A_317 = arith.constant 15 : i32
    %and3A_318 = vector.broadcast %and3A_317 : i32 to vector<16xi32>
    %and3A_319 = arith.andi %get3A_316, %and3A_318 : vector<16xi32>
    %swap3A_320 = arith.constant 2 : i32
    %swap3A_321 = arith.index_cast %swap3A_320 : i32 to index
    %swap3A_322 = arith.constant 96 : index
    %swap3A_323 = tpu.vector_load %arg5[%swap3A_321, %swap3A_322] {strides = array<i32>} : memref<8x128xi32, #tpu.memory_space<vmem>>, vector<1x16xi32>,
    %swap3A_324 = vector.shape_cast %swap3A_323 : vector<1x16xi32> to vector<16xi32>
    %swap3A_325 = vector.shape_cast %and3A_319 : vector<16xi32> to vector<1x16xi32>
    tpu.vector_store %arg5[%swap3A_321, %swap3A_322], %swap3A_325 {strides = array<i32>} : memref<8x128xi32, #tpu.memory_space<vmem>>, vector<1x16xi32>,
    %get3A_326 = arith.constant 2 : i32
    %get3A_327 = arith.index_cast %get3A_326 : i32 to index
    %get3A_328 = arith.constant 112 : index
    %get3A_329 = tpu.vector_load %arg5[%get3A_327, %get3A_328] {strides = array<i32>} : memref<8x128xi32, #tpu.memory_space<vmem>>, vector<1x16xi32>,
    %get3A_330 = vector.shape_cast %get3A_329 : vector<1x16xi32> to vector<16xi32>
    %and3A_331 = arith.constant 15 : i32
    %and3A_332 = vector.broadcast %and3A_331 : i32 to vector<16xi32>
    %and3A_333 = arith.andi %get3A_330, %and3A_332 : vector<16xi32>
    %swap3A_334 = arith.constant 2 : i32
    %swap3A_335 = arith.index_cast %swap3A_334 : i32 to index
    %swap3A_336 = arith.constant 112 : index
    %swap3A_337 = tpu.vector_load %arg5[%swap3A_335, %swap3A_336] {strides = array<i32>} : memref<8x128xi32, #tpu.memory_space<vmem>>, vector<1x16xi32>,
    %swap3A_338 = vector.shape_cast %swap3A_337 : vector<1x16xi32> to vector<16xi32>
    %swap3A_339 = vector.shape_cast %and3A_333 : vector<16xi32> to vector<1x16xi32>
    tpu.vector_store %arg5[%swap3A_335, %swap3A_336], %swap3A_339 {strides = array<i32>} : memref<8x128xi32, #tpu.memory_space<vmem>>, vector<1x16xi32>,
    %get3A_340 = arith.constant 3 : i32
    %get3A_341 = arith.index_cast %get3A_340 : i32 to index
    %get3A_342 = arith.constant 0 : index
    %get3A_343 = tpu.vector_load %arg5[%get3A_341, %get3A_342] {strides = array<i32>} : memref<8x128xi32, #tpu.memory_space<vmem>>, vector<1x16xi32>,
    %get3A_344 = vector.shape_cast %get3A_343 : vector<1x16xi32> to vector<16xi32>
    %and3A_345 = arith.constant 15 : i32
    %and3A_346 = vector.broadcast %and3A_345 : i32 to vector<16xi32>
    %and3A_347 = arith.andi %get3A_344, %and3A_346 : vector<16xi32>
    %swap3A_348 = arith.constant 3 : i32
    %swap3A_349 = arith.index_cast %swap3A_348 : i32 to index
    %swap3A_350 = arith.constant 0 : index
    %swap3A_351 = tpu.vector_load %arg5[%swap3A_349, %swap3A_350] {strides = array<i32>} : memref<8x128xi32, #tpu.memory_space<vmem>>, vector<1x16xi32>,
    %swap3A_352 = vector.shape_cast %swap3A_351 : vector<1x16xi32> to vector<16xi32>
    %swap3A_353 = vector.shape_cast %and3A_347 : vector<16xi32> to vector<1x16xi32>
    tpu.vector_store %arg5[%swap3A_349, %swap3A_350], %swap3A_353 {strides = array<i32>} : memref<8x128xi32, #tpu.memory_space<vmem>>, vector<1x16xi32>,
    %get3A_354 = arith.constant 3 : i32
    %get3A_355 = arith.index_cast %get3A_354 : i32 to index
    %get3A_356 = arith.constant 16 : index
    %get3A_357 = tpu.vector_load %arg5[%get3A_355, %get3A_356] {strides = array<i32>} : memref<8x128xi32, #tpu.memory_space<vmem>>, vector<1x16xi32>,
    %get3A_358 = vector.shape_cast %get3A_357 : vector<1x16xi32> to vector<16xi32>
    %and3A_359 = arith.constant 15 : i32
    %and3A_360 = vector.broadcast %and3A_359 : i32 to vector<16xi32>
    %and3A_361 = arith.andi %get3A_358, %and3A_360 : vector<16xi32>
    %swap3A_362 = arith.constant 3 : i32
    %swap3A_363 = arith.index_cast %swap3A_362 : i32 to index
    %swap3A_364 = arith.constant 16 : index
    %swap3A_365 = tpu.vector_load %arg5[%swap3A_363, %swap3A_364] {strides = array<i32>} : memref<8x128xi32, #tpu.memory_space<vmem>>, vector<1x16xi32>,
    %swap3A_366 = vector.shape_cast %swap3A_365 : vector<1x16xi32> to vector<16xi32>
    %swap3A_367 = vector.shape_cast %and3A_361 : vector<16xi32> to vector<1x16xi32>
    tpu.vector_store %arg5[%swap3A_363, %swap3A_364], %swap3A_367 {strides = array<i32>} : memref<8x128xi32, #tpu.memory_space<vmem>>, vector<1x16xi32>,
    %get3A_368 = arith.constant 3 : i32
    %get3A_369 = arith.index_cast %get3A_368 : i32 to index
    %get3A_370 = arith.constant 32 : index
    %get3A_371 = tpu.vector_load %arg5[%get3A_369, %get3A_370] {strides = array<i32>} : memref<8x128xi32, #tpu.memory_space<vmem>>, vector<1x16xi32>,
    %get3A_372 = vector.shape_cast %get3A_371 : vector<1x16xi32> to vector<16xi32>
    %and3A_373 = arith.constant 15 : i32
    %and3A_374 = vector.broadcast %and3A_373 : i32 to vector<16xi32>
    %and3A_375 = arith.andi %get3A_372, %and3A_374 : vector<16xi32>
    %swap3A_376 = arith.constant 3 : i32
    %swap3A_377 = arith.index_cast %swap3A_376 : i32 to index
    %swap3A_378 = arith.constant 32 : index
    %swap3A_379 = tpu.vector_load %arg5[%swap3A_377, %swap3A_378] {strides = array<i32>} : memref<8x128xi32, #tpu.memory_space<vmem>>, vector<1x16xi32>,
    %swap3A_380 = vector.shape_cast %swap3A_379 : vector<1x16xi32> to vector<16xi32>
    %swap3A_381 = vector.shape_cast %and3A_375 : vector<16xi32> to vector<1x16xi32>
    tpu.vector_store %arg5[%swap3A_377, %swap3A_378], %swap3A_381 {strides = array<i32>} : memref<8x128xi32, #tpu.memory_space<vmem>>, vector<1x16xi32>,
    %get3A_382 = arith.constant 3 : i32
    %get3A_383 = arith.index_cast %get3A_382 : i32 to index
    %get3A_384 = arith.constant 48 : index
    %get3A_385 = tpu.vector_load %arg5[%get3A_383, %get3A_384] {strides = array<i32>} : memref<8x128xi32, #tpu.memory_space<vmem>>, vector<1x16xi32>,
    %get3A_386 = vector.shape_cast %get3A_385 : vector<1x16xi32> to vector<16xi32>
    %and3A_387 = arith.constant 15 : i32
    %and3A_388 = vector.broadcast %and3A_387 : i32 to vector<16xi32>
    %and3A_389 = arith.andi %get3A_386, %and3A_388 : vector<16xi32>
    %swap3A_390 = arith.constant 3 : i32
    %swap3A_391 = arith.index_cast %swap3A_390 : i32 to index
    %swap3A_392 = arith.constant 48 : index
    %swap3A_393 = tpu.vector_load %arg5[%swap3A_391, %swap3A_392] {strides = array<i32>} : memref<8x128xi32, #tpu.memory_space<vmem>>, vector<1x16xi32>,
    %swap3A_394 = vector.shape_cast %swap3A_393 : vector<1x16xi32> to vector<16xi32>
    %swap3A_395 = vector.shape_cast %and3A_389 : vector<16xi32> to vector<1x16xi32>
    tpu.vector_store %arg5[%swap3A_391, %swap3A_392], %swap3A_395 {strides = array<i32>} : memref<8x128xi32, #tpu.memory_space<vmem>>, vector<1x16xi32>,
    %get3A_396 = arith.constant 3 : i32
    %get3A_397 = arith.index_cast %get3A_396 : i32 to index
    %get3A_398 = arith.constant 64 : index
    %get3A_399 = tpu.vector_load %arg5[%get3A_397, %get3A_398] {strides = array<i32>} : memref<8x128xi32, #tpu.memory_space<vmem>>, vector<1x16xi32>,
    %get3A_400 = vector.shape_cast %get3A_399 : vector<1x16xi32> to vector<16xi32>
    %and3A_401 = arith.constant 15 : i32
    %and3A_402 = vector.broadcast %and3A_401 : i32 to vector<16xi32>
    %and3A_403 = arith.andi %get3A_400, %and3A_402 : vector<16xi32>
    %swap3A_404 = arith.constant 3 : i32
    %swap3A_405 = arith.index_cast %swap3A_404 : i32 to index
    %swap3A_406 = arith.constant 64 : index
    %swap3A_407 = tpu.vector_load %arg5[%swap3A_405, %swap3A_406] {strides = array<i32>} : memref<8x128xi32, #tpu.memory_space<vmem>>, vector<1x16xi32>,
    %swap3A_408 = vector.shape_cast %swap3A_407 : vector<1x16xi32> to vector<16xi32>
    %swap3A_409 = vector.shape_cast %and3A_403 : vector<16xi32> to vector<1x16xi32>
    tpu.vector_store %arg5[%swap3A_405, %swap3A_406], %swap3A_409 {strides = array<i32>} : memref<8x128xi32, #tpu.memory_space<vmem>>, vector<1x16xi32>,
    %get3A_410 = arith.constant 3 : i32
    %get3A_411 = arith.index_cast %get3A_410 : i32 to index
    %get3A_412 = arith.constant 80 : index
    %get3A_413 = tpu.vector_load %arg5[%get3A_411, %get3A_412] {strides = array<i32>} : memref<8x128xi32, #tpu.memory_space<vmem>>, vector<1x16xi32>,
    %get3A_414 = vector.shape_cast %get3A_413 : vector<1x16xi32> to vector<16xi32>
    %and3A_415 = arith.constant 15 : i32
    %and3A_416 = vector.broadcast %and3A_415 : i32 to vector<16xi32>
    %and3A_417 = arith.andi %get3A_414, %and3A_416 : vector<16xi32>
    %swap3A_418 = arith.constant 3 : i32
    %swap3A_419 = arith.index_cast %swap3A_418 : i32 to index
    %swap3A_420 = arith.constant 80 : index
    %swap3A_421 = tpu.vector_load %arg5[%swap3A_419, %swap3A_420] {strides = array<i32>} : memref<8x128xi32, #tpu.memory_space<vmem>>, vector<1x16xi32>,
    %swap3A_422 = vector.shape_cast %swap3A_421 : vector<1x16xi32> to vector<16xi32>
    %swap3A_423 = vector.shape_cast %and3A_417 : vector<16xi32> to vector<1x16xi32>
    tpu.vector_store %arg5[%swap3A_419, %swap3A_420], %swap3A_423 {strides = array<i32>} : memref<8x128xi32, #tpu.memory_space<vmem>>, vector<1x16xi32>,
    %get3A_424 = arith.constant 3 : i32
    %get3A_425 = arith.index_cast %get3A_424 : i32 to index
    %get3A_426 = arith.constant 96 : index
    %get3A_427 = tpu.vector_load %arg5[%get3A_425, %get3A_426] {strides = array<i32>} : memref<8x128xi32, #tpu.memory_space<vmem>>, vector<1x16xi32>,
    %get3A_428 = vector.shape_cast %get3A_427 : vector<1x16xi32> to vector<16xi32>
    %and3A_429 = arith.constant 15 : i32
    %and3A_430 = vector.broadcast %and3A_429 : i32 to vector<16xi32>
    %and3A_431 = arith.andi %get3A_428, %and3A_430 : vector<16xi32>
    %swap3A_432 = arith.constant 3 : i32
    %swap3A_433 = arith.index_cast %swap3A_432 : i32 to index
    %swap3A_434 = arith.constant 96 : index
    %swap3A_435 = tpu.vector_load %arg5[%swap3A_433, %swap3A_434] {strides = array<i32>} : memref<8x128xi32, #tpu.memory_space<vmem>>, vector<1x16xi32>,
    %swap3A_436 = vector.shape_cast %swap3A_435 : vector<1x16xi32> to vector<16xi32>
    %swap3A_437 = vector.shape_cast %and3A_431 : vector<16xi32> to vector<1x16xi32>
    tpu.vector_store %arg5[%swap3A_433, %swap3A_434], %swap3A_437 {strides = array<i32>} : memref<8x128xi32, #tpu.memory_space<vmem>>, vector<1x16xi32>,
    %get3A_438 = arith.constant 3 : i32
    %get3A_439 = arith.index_cast %get3A_438 : i32 to index
    %get3A_440 = arith.constant 112 : index
    %get3A_441 = tpu.vector_load %arg5[%get3A_439, %get3A_440] {strides = array<i32>} : memref<8x128xi32, #tpu.memory_space<vmem>>, vector<1x16xi32>,
    %get3A_442 = vector.shape_cast %get3A_441 : vector<1x16xi32> to vector<16xi32>
    %and3A_443 = arith.constant 15 : i32
    %and3A_444 = vector.broadcast %and3A_443 : i32 to vector<16xi32>
    %and3A_445 = arith.andi %get3A_442, %and3A_444 : vector<16xi32>
    %swap3A_446 = arith.constant 3 : i32
    %swap3A_447 = arith.index_cast %swap3A_446 : i32 to index
    %swap3A_448 = arith.constant 112 : index
    %swap3A_449 = tpu.vector_load %arg5[%swap3A_447, %swap3A_448] {strides = array<i32>} : memref<8x128xi32, #tpu.memory_space<vmem>>, vector<1x16xi32>,
    %swap3A_450 = vector.shape_cast %swap3A_449 : vector<1x16xi32> to vector<16xi32>
    %swap3A_451 = vector.shape_cast %and3A_445 : vector<16xi32> to vector<1x16xi32>
    tpu.vector_store %arg5[%swap3A_447, %swap3A_448], %swap3A_451 {strides = array<i32>} : memref<8x128xi32, #tpu.memory_space<vmem>>, vector<1x16xi32>,
    %get3A_452 = arith.constant 4 : i32
    %get3A_453 = arith.index_cast %get3A_452 : i32 to index
    %get3A_454 = arith.constant 0 : index
    %get3A_455 = tpu.vector_load %arg5[%get3A_453, %get3A_454] {strides = array<i32>} : memref<8x128xi32, #tpu.memory_space<vmem>>, vector<1x16xi32>,
    %get3A_456 = vector.shape_cast %get3A_455 : vector<1x16xi32> to vector<16xi32>
    %and3A_457 = arith.constant 15 : i32
    %and3A_458 = vector.broadcast %and3A_457 : i32 to vector<16xi32>
    %and3A_459 = arith.andi %get3A_456, %and3A_458 : vector<16xi32>
    %swap3A_460 = arith.constant 4 : i32
    %swap3A_461 = arith.index_cast %swap3A_460 : i32 to index
    %swap3A_462 = arith.constant 0 : index
    %swap3A_463 = tpu.vector_load %arg5[%swap3A_461, %swap3A_462] {strides = array<i32>} : memref<8x128xi32, #tpu.memory_space<vmem>>, vector<1x16xi32>,
    %swap3A_464 = vector.shape_cast %swap3A_463 : vector<1x16xi32> to vector<16xi32>
    %swap3A_465 = vector.shape_cast %and3A_459 : vector<16xi32> to vector<1x16xi32>
    tpu.vector_store %arg5[%swap3A_461, %swap3A_462], %swap3A_465 {strides = array<i32>} : memref<8x128xi32, #tpu.memory_space<vmem>>, vector<1x16xi32>,
    %get3A_466 = arith.constant 4 : i32
    %get3A_467 = arith.index_cast %get3A_466 : i32 to index
    %get3A_468 = arith.constant 16 : index
    %get3A_469 = tpu.vector_load %arg5[%get3A_467, %get3A_468] {strides = array<i32>} : memref<8x128xi32, #tpu.memory_space<vmem>>, vector<1x16xi32>,
    %get3A_470 = vector.shape_cast %get3A_469 : vector<1x16xi32> to vector<16xi32>
    %and3A_471 = arith.constant 15 : i32
    %and3A_472 = vector.broadcast %and3A_471 : i32 to vector<16xi32>
    %and3A_473 = arith.andi %get3A_470, %and3A_472 : vector<16xi32>
    %swap3A_474 = arith.constant 4 : i32
    %swap3A_475 = arith.index_cast %swap3A_474 : i32 to index
    %swap3A_476 = arith.constant 16 : index
    %swap3A_477 = tpu.vector_load %arg5[%swap3A_475, %swap3A_476] {strides = array<i32>} : memref<8x128xi32, #tpu.memory_space<vmem>>, vector<1x16xi32>,
    %swap3A_478 = vector.shape_cast %swap3A_477 : vector<1x16xi32> to vector<16xi32>
    %swap3A_479 = vector.shape_cast %and3A_473 : vector<16xi32> to vector<1x16xi32>
    tpu.vector_store %arg5[%swap3A_475, %swap3A_476], %swap3A_479 {strides = array<i32>} : memref<8x128xi32, #tpu.memory_space<vmem>>, vector<1x16xi32>,
    %get3A_480 = arith.constant 4 : i32
    %get3A_481 = arith.index_cast %get3A_480 : i32 to index
    %get3A_482 = arith.constant 32 : index
    %get3A_483 = tpu.vector_load %arg5[%get3A_481, %get3A_482] {strides = array<i32>} : memref<8x128xi32, #tpu.memory_space<vmem>>, vector<1x16xi32>,
    %get3A_484 = vector.shape_cast %get3A_483 : vector<1x16xi32> to vector<16xi32>
    %and3A_485 = arith.constant 15 : i32
    %and3A_486 = vector.broadcast %and3A_485 : i32 to vector<16xi32>
    %and3A_487 = arith.andi %get3A_484, %and3A_486 : vector<16xi32>
    %swap3A_488 = arith.constant 4 : i32
    %swap3A_489 = arith.index_cast %swap3A_488 : i32 to index
    %swap3A_490 = arith.constant 32 : index
    %swap3A_491 = tpu.vector_load %arg5[%swap3A_489, %swap3A_490] {strides = array<i32>} : memref<8x128xi32, #tpu.memory_space<vmem>>, vector<1x16xi32>,
    %swap3A_492 = vector.shape_cast %swap3A_491 : vector<1x16xi32> to vector<16xi32>
    %swap3A_493 = vector.shape_cast %and3A_487 : vector<16xi32> to vector<1x16xi32>
    tpu.vector_store %arg5[%swap3A_489, %swap3A_490], %swap3A_493 {strides = array<i32>} : memref<8x128xi32, #tpu.memory_space<vmem>>, vector<1x16xi32>,
    %get3A_494 = arith.constant 4 : i32
    %get3A_495 = arith.index_cast %get3A_494 : i32 to index
    %get3A_496 = arith.constant 48 : index
    %get3A_497 = tpu.vector_load %arg5[%get3A_495, %get3A_496] {strides = array<i32>} : memref<8x128xi32, #tpu.memory_space<vmem>>, vector<1x16xi32>,
    %get3A_498 = vector.shape_cast %get3A_497 : vector<1x16xi32> to vector<16xi32>
    %and3A_499 = arith.constant 15 : i32
    %and3A_500 = vector.broadcast %and3A_499 : i32 to vector<16xi32>
    %and3A_501 = arith.andi %get3A_498, %and3A_500 : vector<16xi32>
    %swap3A_502 = arith.constant 4 : i32
    %swap3A_503 = arith.index_cast %swap3A_502 : i32 to index
    %swap3A_504 = arith.constant 48 : index
    %swap3A_505 = tpu.vector_load %arg5[%swap3A_503, %swap3A_504] {strides = array<i32>} : memref<8x128xi32, #tpu.memory_space<vmem>>, vector<1x16xi32>,
    %swap3A_506 = vector.shape_cast %swap3A_505 : vector<1x16xi32> to vector<16xi32>
    %swap3A_507 = vector.shape_cast %and3A_501 : vector<16xi32> to vector<1x16xi32>
    tpu.vector_store %arg5[%swap3A_503, %swap3A_504], %swap3A_507 {strides = array<i32>} : memref<8x128xi32, #tpu.memory_space<vmem>>, vector<1x16xi32>,
    %get3A_508 = arith.constant 4 : i32
    %get3A_509 = arith.index_cast %get3A_508 : i32 to index
    %get3A_510 = arith.constant 64 : index
    %get3A_511 = tpu.vector_load %arg5[%get3A_509, %get3A_510] {strides = array<i32>} : memref<8x128xi32, #tpu.memory_space<vmem>>, vector<1x16xi32>,
    %get3A_512 = vector.shape_cast %get3A_511 : vector<1x16xi32> to vector<16xi32>
    %and3A_513 = arith.constant 15 : i32
    %and3A_514 = vector.broadcast %and3A_513 : i32 to vector<16xi32>
    %and3A_515 = arith.andi %get3A_512, %and3A_514 : vector<16xi32>
    %swap3A_516 = arith.constant 4 : i32
    %swap3A_517 = arith.index_cast %swap3A_516 : i32 to index
    %swap3A_518 = arith.constant 64 : index
    %swap3A_519 = tpu.vector_load %arg5[%swap3A_517, %swap3A_518] {strides = array<i32>} : memref<8x128xi32, #tpu.memory_space<vmem>>, vector<1x16xi32>,
    %swap3A_520 = vector.shape_cast %swap3A_519 : vector<1x16xi32> to vector<16xi32>
    %swap3A_521 = vector.shape_cast %and3A_515 : vector<16xi32> to vector<1x16xi32>
    tpu.vector_store %arg5[%swap3A_517, %swap3A_518], %swap3A_521 {strides = array<i32>} : memref<8x128xi32, #tpu.memory_space<vmem>>, vector<1x16xi32>,
    %get3A_522 = arith.constant 4 : i32
    %get3A_523 = arith.index_cast %get3A_522 : i32 to index
    %get3A_524 = arith.constant 80 : index
    %get3A_525 = tpu.vector_load %arg5[%get3A_523, %get3A_524] {strides = array<i32>} : memref<8x128xi32, #tpu.memory_space<vmem>>, vector<1x16xi32>,
    %get3A_526 = vector.shape_cast %get3A_525 : vector<1x16xi32> to vector<16xi32>
    %and3A_527 = arith.constant 15 : i32
    %and3A_528 = vector.broadcast %and3A_527 : i32 to vector<16xi32>
    %and3A_529 = arith.andi %get3A_526, %and3A_528 : vector<16xi32>
    %swap3A_530 = arith.constant 4 : i32
    %swap3A_531 = arith.index_cast %swap3A_530 : i32 to index
    %swap3A_532 = arith.constant 80 : index
    %swap3A_533 = tpu.vector_load %arg5[%swap3A_531, %swap3A_532] {strides = array<i32>} : memref<8x128xi32, #tpu.memory_space<vmem>>, vector<1x16xi32>,
    %swap3A_534 = vector.shape_cast %swap3A_533 : vector<1x16xi32> to vector<16xi32>
    %swap3A_535 = vector.shape_cast %and3A_529 : vector<16xi32> to vector<1x16xi32>
    tpu.vector_store %arg5[%swap3A_531, %swap3A_532], %swap3A_535 {strides = array<i32>} : memref<8x128xi32, #tpu.memory_space<vmem>>, vector<1x16xi32>,
    %get3A_536 = arith.constant 4 : i32
    %get3A_537 = arith.index_cast %get3A_536 : i32 to index
    %get3A_538 = arith.constant 96 : index
    %get3A_539 = tpu.vector_load %arg5[%get3A_537, %get3A_538] {strides = array<i32>} : memref<8x128xi32, #tpu.memory_space<vmem>>, vector<1x16xi32>,
    %get3A_540 = vector.shape_cast %get3A_539 : vector<1x16xi32> to vector<16xi32>
    %and3A_541 = arith.constant 15 : i32
    %and3A_542 = vector.broadcast %and3A_541 : i32 to vector<16xi32>
    %and3A_543 = arith.andi %get3A_540, %and3A_542 : vector<16xi32>
    %swap3A_544 = arith.constant 4 : i32
    %swap3A_545 = arith.index_cast %swap3A_544 : i32 to index
    %swap3A_546 = arith.constant 96 : index
    %swap3A_547 = tpu.vector_load %arg5[%swap3A_545, %swap3A_546] {strides = array<i32>} : memref<8x128xi32, #tpu.memory_space<vmem>>, vector<1x16xi32>,
    %swap3A_548 = vector.shape_cast %swap3A_547 : vector<1x16xi32> to vector<16xi32>
    %swap3A_549 = vector.shape_cast %and3A_543 : vector<16xi32> to vector<1x16xi32>
    tpu.vector_store %arg5[%swap3A_545, %swap3A_546], %swap3A_549 {strides = array<i32>} : memref<8x128xi32, #tpu.memory_space<vmem>>, vector<1x16xi32>,
    %get3A_550 = arith.constant 4 : i32
    %get3A_551 = arith.index_cast %get3A_550 : i32 to index
    %get3A_552 = arith.constant 112 : index
    %get3A_553 = tpu.vector_load %arg5[%get3A_551, %get3A_552] {strides = array<i32>} : memref<8x128xi32, #tpu.memory_space<vmem>>, vector<1x16xi32>,
    %get3A_554 = vector.shape_cast %get3A_553 : vector<1x16xi32> to vector<16xi32>
    %and3A_555 = arith.constant 15 : i32
    %and3A_556 = vector.broadcast %and3A_555 : i32 to vector<16xi32>
    %and3A_557 = arith.andi %get3A_554, %and3A_556 : vector<16xi32>
    %swap3A_558 = arith.constant 4 : i32
    %swap3A_559 = arith.index_cast %swap3A_558 : i32 to index
    %swap3A_560 = arith.constant 112 : index
    %swap3A_561 = tpu.vector_load %arg5[%swap3A_559, %swap3A_560] {strides = array<i32>} : memref<8x128xi32, #tpu.memory_space<vmem>>, vector<1x16xi32>,
    %swap3A_562 = vector.shape_cast %swap3A_561 : vector<1x16xi32> to vector<16xi32>
    %swap3A_563 = vector.shape_cast %and3A_557 : vector<16xi32> to vector<1x16xi32>
    tpu.vector_store %arg5[%swap3A_559, %swap3A_560], %swap3A_563 {strides = array<i32>} : memref<8x128xi32, #tpu.memory_space<vmem>>, vector<1x16xi32>,
    %get3A_564 = arith.constant 5 : i32
    %get3A_565 = arith.index_cast %get3A_564 : i32 to index
    %get3A_566 = arith.constant 0 : index
    %get3A_567 = tpu.vector_load %arg5[%get3A_565, %get3A_566] {strides = array<i32>} : memref<8x128xi32, #tpu.memory_space<vmem>>, vector<1x16xi32>,
    %get3A_568 = vector.shape_cast %get3A_567 : vector<1x16xi32> to vector<16xi32>
    %and3A_569 = arith.constant 15 : i32
    %and3A_570 = vector.broadcast %and3A_569 : i32 to vector<16xi32>
    %and3A_571 = arith.andi %get3A_568, %and3A_570 : vector<16xi32>
    %swap3A_572 = arith.constant 5 : i32
    %swap3A_573 = arith.index_cast %swap3A_572 : i32 to index
    %swap3A_574 = arith.constant 0 : index
    %swap3A_575 = tpu.vector_load %arg5[%swap3A_573, %swap3A_574] {strides = array<i32>} : memref<8x128xi32, #tpu.memory_space<vmem>>, vector<1x16xi32>,
    %swap3A_576 = vector.shape_cast %swap3A_575 : vector<1x16xi32> to vector<16xi32>
    %swap3A_577 = vector.shape_cast %and3A_571 : vector<16xi32> to vector<1x16xi32>
    tpu.vector_store %arg5[%swap3A_573, %swap3A_574], %swap3A_577 {strides = array<i32>} : memref<8x128xi32, #tpu.memory_space<vmem>>, vector<1x16xi32>,
    %get3A_578 = arith.constant 5 : i32
    %get3A_579 = arith.index_cast %get3A_578 : i32 to index
    %get3A_580 = arith.constant 16 : index
    %get3A_581 = tpu.vector_load %arg5[%get3A_579, %get3A_580] {strides = array<i32>} : memref<8x128xi32, #tpu.memory_space<vmem>>, vector<1x16xi32>,
    %get3A_582 = vector.shape_cast %get3A_581 : vector<1x16xi32> to vector<16xi32>
    %and3A_583 = arith.constant 15 : i32
    %and3A_584 = vector.broadcast %and3A_583 : i32 to vector<16xi32>
    %and3A_585 = arith.andi %get3A_582, %and3A_584 : vector<16xi32>
    %swap3A_586 = arith.constant 5 : i32
    %swap3A_587 = arith.index_cast %swap3A_586 : i32 to index
    %swap3A_588 = arith.constant 16 : index
    %swap3A_589 = tpu.vector_load %arg5[%swap3A_587, %swap3A_588] {strides = array<i32>} : memref<8x128xi32, #tpu.memory_space<vmem>>, vector<1x16xi32>,
    %swap3A_590 = vector.shape_cast %swap3A_589 : vector<1x16xi32> to vector<16xi32>
    %swap3A_591 = vector.shape_cast %and3A_585 : vector<16xi32> to vector<1x16xi32>
    tpu.vector_store %arg5[%swap3A_587, %swap3A_588], %swap3A_591 {strides = array<i32>} : memref<8x128xi32, #tpu.memory_space<vmem>>, vector<1x16xi32>,
    %get3A_592 = arith.constant 5 : i32
    %get3A_593 = arith.index_cast %get3A_592 : i32 to index
    %get3A_594 = arith.constant 32 : index
    %get3A_595 = tpu.vector_load %arg5[%get3A_593, %get3A_594] {strides = array<i32>} : memref<8x128xi32, #tpu.memory_space<vmem>>, vector<1x16xi32>,
    %get3A_596 = vector.shape_cast %get3A_595 : vector<1x16xi32> to vector<16xi32>
    %and3A_597 = arith.constant 15 : i32
    %and3A_598 = vector.broadcast %and3A_597 : i32 to vector<16xi32>
    %and3A_599 = arith.andi %get3A_596, %and3A_598 : vector<16xi32>
    %swap3A_600 = arith.constant 5 : i32
    %swap3A_601 = arith.index_cast %swap3A_600 : i32 to index
    %swap3A_602 = arith.constant 32 : index
    %swap3A_603 = tpu.vector_load %arg5[%swap3A_601, %swap3A_602] {strides = array<i32>} : memref<8x128xi32, #tpu.memory_space<vmem>>, vector<1x16xi32>,
    %swap3A_604 = vector.shape_cast %swap3A_603 : vector<1x16xi32> to vector<16xi32>
    %swap3A_605 = vector.shape_cast %and3A_599 : vector<16xi32> to vector<1x16xi32>
    tpu.vector_store %arg5[%swap3A_601, %swap3A_602], %swap3A_605 {strides = array<i32>} : memref<8x128xi32, #tpu.memory_space<vmem>>, vector<1x16xi32>,
    %get3A_606 = arith.constant 5 : i32
    %get3A_607 = arith.index_cast %get3A_606 : i32 to index
    %get3A_608 = arith.constant 48 : index
    %get3A_609 = tpu.vector_load %arg5[%get3A_607, %get3A_608] {strides = array<i32>} : memref<8x128xi32, #tpu.memory_space<vmem>>, vector<1x16xi32>,
    %get3A_610 = vector.shape_cast %get3A_609 : vector<1x16xi32> to vector<16xi32>
    %and3A_611 = arith.constant 15 : i32
    %and3A_612 = vector.broadcast %and3A_611 : i32 to vector<16xi32>
    %and3A_613 = arith.andi %get3A_610, %and3A_612 : vector<16xi32>
    %swap3A_614 = arith.constant 5 : i32
    %swap3A_615 = arith.index_cast %swap3A_614 : i32 to index
    %swap3A_616 = arith.constant 48 : index
    %swap3A_617 = tpu.vector_load %arg5[%swap3A_615, %swap3A_616] {strides = array<i32>} : memref<8x128xi32, #tpu.memory_space<vmem>>, vector<1x16xi32>,
    %swap3A_618 = vector.shape_cast %swap3A_617 : vector<1x16xi32> to vector<16xi32>
    %swap3A_619 = vector.shape_cast %and3A_613 : vector<16xi32> to vector<1x16xi32>
    tpu.vector_store %arg5[%swap3A_615, %swap3A_616], %swap3A_619 {strides = array<i32>} : memref<8x128xi32, #tpu.memory_space<vmem>>, vector<1x16xi32>,
    %get3A_620 = arith.constant 5 : i32
    %get3A_621 = arith.index_cast %get3A_620 : i32 to index
    %get3A_622 = arith.constant 64 : index
    %get3A_623 = tpu.vector_load %arg5[%get3A_621, %get3A_622] {strides = array<i32>} : memref<8x128xi32, #tpu.memory_space<vmem>>, vector<1x16xi32>,
    %get3A_624 = vector.shape_cast %get3A_623 : vector<1x16xi32> to vector<16xi32>
    %and3A_625 = arith.constant 15 : i32
    %and3A_626 = vector.broadcast %and3A_625 : i32 to vector<16xi32>
    %and3A_627 = arith.andi %get3A_624, %and3A_626 : vector<16xi32>
    %swap3A_628 = arith.constant 5 : i32
    %swap3A_629 = arith.index_cast %swap3A_628 : i32 to index
    %swap3A_630 = arith.constant 64 : index
    %swap3A_631 = tpu.vector_load %arg5[%swap3A_629, %swap3A_630] {strides = array<i32>} : memref<8x128xi32, #tpu.memory_space<vmem>>, vector<1x16xi32>,
    %swap3A_632 = vector.shape_cast %swap3A_631 : vector<1x16xi32> to vector<16xi32>
    %swap3A_633 = vector.shape_cast %and3A_627 : vector<16xi32> to vector<1x16xi32>
    tpu.vector_store %arg5[%swap3A_629, %swap3A_630], %swap3A_633 {strides = array<i32>} : memref<8x128xi32, #tpu.memory_space<vmem>>, vector<1x16xi32>,
    %get3A_634 = arith.constant 5 : i32
    %get3A_635 = arith.index_cast %get3A_634 : i32 to index
    %get3A_636 = arith.constant 80 : index
    %get3A_637 = tpu.vector_load %arg5[%get3A_635, %get3A_636] {strides = array<i32>} : memref<8x128xi32, #tpu.memory_space<vmem>>, vector<1x16xi32>,
    %get3A_638 = vector.shape_cast %get3A_637 : vector<1x16xi32> to vector<16xi32>
    %and3A_639 = arith.constant 15 : i32
    %and3A_640 = vector.broadcast %and3A_639 : i32 to vector<16xi32>
    %and3A_641 = arith.andi %get3A_638, %and3A_640 : vector<16xi32>
    %swap3A_642 = arith.constant 5 : i32
    %swap3A_643 = arith.index_cast %swap3A_642 : i32 to index
    %swap3A_644 = arith.constant 80 : index
    %swap3A_645 = tpu.vector_load %arg5[%swap3A_643, %swap3A_644] {strides = array<i32>} : memref<8x128xi32, #tpu.memory_space<vmem>>, vector<1x16xi32>,
    %swap3A_646 = vector.shape_cast %swap3A_645 : vector<1x16xi32> to vector<16xi32>
    %swap3A_647 = vector.shape_cast %and3A_641 : vector<16xi32> to vector<1x16xi32>
    tpu.vector_store %arg5[%swap3A_643, %swap3A_644], %swap3A_647 {strides = array<i32>} : memref<8x128xi32, #tpu.memory_space<vmem>>, vector<1x16xi32>,
    %get3A_648 = arith.constant 5 : i32
    %get3A_649 = arith.index_cast %get3A_648 : i32 to index
    %get3A_650 = arith.constant 96 : index
    %get3A_651 = tpu.vector_load %arg5[%get3A_649, %get3A_650] {strides = array<i32>} : memref<8x128xi32, #tpu.memory_space<vmem>>, vector<1x16xi32>,
    %get3A_652 = vector.shape_cast %get3A_651 : vector<1x16xi32> to vector<16xi32>
    %and3A_653 = arith.constant 15 : i32
    %and3A_654 = vector.broadcast %and3A_653 : i32 to vector<16xi32>
    %and3A_655 = arith.andi %get3A_652, %and3A_654 : vector<16xi32>
    %swap3A_656 = arith.constant 5 : i32
    %swap3A_657 = arith.index_cast %swap3A_656 : i32 to index
    %swap3A_658 = arith.constant 96 : index
    %swap3A_659 = tpu.vector_load %arg5[%swap3A_657, %swap3A_658] {strides = array<i32>} : memref<8x128xi32, #tpu.memory_space<vmem>>, vector<1x16xi32>,
    %swap3A_660 = vector.shape_cast %swap3A_659 : vector<1x16xi32> to vector<16xi32>
    %swap3A_661 = vector.shape_cast %and3A_655 : vector<16xi32> to vector<1x16xi32>
    tpu.vector_store %arg5[%swap3A_657, %swap3A_658], %swap3A_661 {strides = array<i32>} : memref<8x128xi32, #tpu.memory_space<vmem>>, vector<1x16xi32>,
    %get3A_662 = arith.constant 5 : i32
    %get3A_663 = arith.index_cast %get3A_662 : i32 to index
    %get3A_664 = arith.constant 112 : index
    %get3A_665 = tpu.vector_load %arg5[%get3A_663, %get3A_664] {strides = array<i32>} : memref<8x128xi32, #tpu.memory_space<vmem>>, vector<1x16xi32>,
    %get3A_666 = vector.shape_cast %get3A_665 : vector<1x16xi32> to vector<16xi32>
    %and3A_667 = arith.constant 15 : i32
    %and3A_668 = vector.broadcast %and3A_667 : i32 to vector<16xi32>
    %and3A_669 = arith.andi %get3A_666, %and3A_668 : vector<16xi32>
    %swap3A_670 = arith.constant 5 : i32
    %swap3A_671 = arith.index_cast %swap3A_670 : i32 to index
    %swap3A_672 = arith.constant 112 : index
    %swap3A_673 = tpu.vector_load %arg5[%swap3A_671, %swap3A_672] {strides = array<i32>} : memref<8x128xi32, #tpu.memory_space<vmem>>, vector<1x16xi32>,
    %swap3A_674 = vector.shape_cast %swap3A_673 : vector<1x16xi32> to vector<16xi32>
    %swap3A_675 = vector.shape_cast %and3A_669 : vector<16xi32> to vector<1x16xi32>
    tpu.vector_store %arg5[%swap3A_671, %swap3A_672], %swap3A_675 {strides = array<i32>} : memref<8x128xi32, #tpu.memory_space<vmem>>, vector<1x16xi32>,
    %get3A_676 = arith.constant 6 : i32
    %get3A_677 = arith.index_cast %get3A_676 : i32 to index
    %get3A_678 = arith.constant 0 : index
    %get3A_679 = tpu.vector_load %arg5[%get3A_677, %get3A_678] {strides = array<i32>} : memref<8x128xi32, #tpu.memory_space<vmem>>, vector<1x16xi32>,
    %get3A_680 = vector.shape_cast %get3A_679 : vector<1x16xi32> to vector<16xi32>
    %and3A_681 = arith.constant 15 : i32
    %and3A_682 = vector.broadcast %and3A_681 : i32 to vector<16xi32>
    %and3A_683 = arith.andi %get3A_680, %and3A_682 : vector<16xi32>
    %swap3A_684 = arith.constant 6 : i32
    %swap3A_685 = arith.index_cast %swap3A_684 : i32 to index
    %swap3A_686 = arith.constant 0 : index
    %swap3A_687 = tpu.vector_load %arg5[%swap3A_685, %swap3A_686] {strides = array<i32>} : memref<8x128xi32, #tpu.memory_space<vmem>>, vector<1x16xi32>,
    %swap3A_688 = vector.shape_cast %swap3A_687 : vector<1x16xi32> to vector<16xi32>
    %swap3A_689 = vector.shape_cast %and3A_683 : vector<16xi32> to vector<1x16xi32>
    tpu.vector_store %arg5[%swap3A_685, %swap3A_686], %swap3A_689 {strides = array<i32>} : memref<8x128xi32, #tpu.memory_space<vmem>>, vector<1x16xi32>,
    %get3A_690 = arith.constant 6 : i32
    %get3A_691 = arith.index_cast %get3A_690 : i32 to index
    %get3A_692 = arith.constant 16 : index
    %get3A_693 = tpu.vector_load %arg5[%get3A_691, %get3A_692] {strides = array<i32>} : memref<8x128xi32, #tpu.memory_space<vmem>>, vector<1x16xi32>,
    %get3A_694 = vector.shape_cast %get3A_693 : vector<1x16xi32> to vector<16xi32>
    %and3A_695 = arith.constant 15 : i32
    %and3A_696 = vector.broadcast %and3A_695 : i32 to vector<16xi32>
    %and3A_697 = arith.andi %get3A_694, %and3A_696 : vector<16xi32>
    %swap3A_698 = arith.constant 6 : i32
    %swap3A_699 = arith.index_cast %swap3A_698 : i32 to index
    %swap3A_700 = arith.constant 16 : index
    %swap3A_701 = tpu.vector_load %arg5[%swap3A_699, %swap3A_700] {strides = array<i32>} : memref<8x128xi32, #tpu.memory_space<vmem>>, vector<1x16xi32>,
    %swap3A_702 = vector.shape_cast %swap3A_701 : vector<1x16xi32> to vector<16xi32>
    %swap3A_703 = vector.shape_cast %and3A_697 : vector<16xi32> to vector<1x16xi32>
    tpu.vector_store %arg5[%swap3A_699, %swap3A_700], %swap3A_703 {strides = array<i32>} : memref<8x128xi32, #tpu.memory_space<vmem>>, vector<1x16xi32>,
    %get3A_704 = arith.constant 6 : i32
    %get3A_705 = arith.index_cast %get3A_704 : i32 to index
    %get3A_706 = arith.constant 32 : index
    %get3A_707 = tpu.vector_load %arg5[%get3A_705, %get3A_706] {strides = array<i32>} : memref<8x128xi32, #tpu.memory_space<vmem>>, vector<1x16xi32>,
    %get3A_708 = vector.shape_cast %get3A_707 : vector<1x16xi32> to vector<16xi32>
    %and3A_709 = arith.constant 15 : i32
    %and3A_710 = vector.broadcast %and3A_709 : i32 to vector<16xi32>
    %and3A_711 = arith.andi %get3A_708, %and3A_710 : vector<16xi32>
    %swap3A_712 = arith.constant 6 : i32
    %swap3A_713 = arith.index_cast %swap3A_712 : i32 to index
    %swap3A_714 = arith.constant 32 : index
    %swap3A_715 = tpu.vector_load %arg5[%swap3A_713, %swap3A_714] {strides = array<i32>} : memref<8x128xi32, #tpu.memory_space<vmem>>, vector<1x16xi32>,
    %swap3A_716 = vector.shape_cast %swap3A_715 : vector<1x16xi32> to vector<16xi32>
    %swap3A_717 = vector.shape_cast %and3A_711 : vector<16xi32> to vector<1x16xi32>
    tpu.vector_store %arg5[%swap3A_713, %swap3A_714], %swap3A_717 {strides = array<i32>} : memref<8x128xi32, #tpu.memory_space<vmem>>, vector<1x16xi32>,
    %get3A_718 = arith.constant 6 : i32
    %get3A_719 = arith.index_cast %get3A_718 : i32 to index
    %get3A_720 = arith.constant 48 : index
    %get3A_721 = tpu.vector_load %arg5[%get3A_719, %get3A_720] {strides = array<i32>} : memref<8x128xi32, #tpu.memory_space<vmem>>, vector<1x16xi32>,
    %get3A_722 = vector.shape_cast %get3A_721 : vector<1x16xi32> to vector<16xi32>
    %and3A_723 = arith.constant 15 : i32
    %and3A_724 = vector.broadcast %and3A_723 : i32 to vector<16xi32>
    %and3A_725 = arith.andi %get3A_722, %and3A_724 : vector<16xi32>
    %swap3A_726 = arith.constant 6 : i32
    %swap3A_727 = arith.index_cast %swap3A_726 : i32 to index
    %swap3A_728 = arith.constant 48 : index
    %swap3A_729 = tpu.vector_load %arg5[%swap3A_727, %swap3A_728] {strides = array<i32>} : memref<8x128xi32, #tpu.memory_space<vmem>>, vector<1x16xi32>,
    %swap3A_730 = vector.shape_cast %swap3A_729 : vector<1x16xi32> to vector<16xi32>
    %swap3A_731 = vector.shape_cast %and3A_725 : vector<16xi32> to vector<1x16xi32>
    tpu.vector_store %arg5[%swap3A_727, %swap3A_728], %swap3A_731 {strides = array<i32>} : memref<8x128xi32, #tpu.memory_space<vmem>>, vector<1x16xi32>,
    %get3A_732 = arith.constant 6 : i32
    %get3A_733 = arith.index_cast %get3A_732 : i32 to index
    %get3A_734 = arith.constant 64 : index
    %get3A_735 = tpu.vector_load %arg5[%get3A_733, %get3A_734] {strides = array<i32>} : memref<8x128xi32, #tpu.memory_space<vmem>>, vector<1x16xi32>,
    %get3A_736 = vector.shape_cast %get3A_735 : vector<1x16xi32> to vector<16xi32>
    %and3A_737 = arith.constant 15 : i32
    %and3A_738 = vector.broadcast %and3A_737 : i32 to vector<16xi32>
    %and3A_739 = arith.andi %get3A_736, %and3A_738 : vector<16xi32>
    %swap3A_740 = arith.constant 6 : i32
    %swap3A_741 = arith.index_cast %swap3A_740 : i32 to index
    %swap3A_742 = arith.constant 64 : index
    %swap3A_743 = tpu.vector_load %arg5[%swap3A_741, %swap3A_742] {strides = array<i32>} : memref<8x128xi32, #tpu.memory_space<vmem>>, vector<1x16xi32>,
    %swap3A_744 = vector.shape_cast %swap3A_743 : vector<1x16xi32> to vector<16xi32>
    %swap3A_745 = vector.shape_cast %and3A_739 : vector<16xi32> to vector<1x16xi32>
    tpu.vector_store %arg5[%swap3A_741, %swap3A_742], %swap3A_745 {strides = array<i32>} : memref<8x128xi32, #tpu.memory_space<vmem>>, vector<1x16xi32>,
    %get3A_746 = arith.constant 6 : i32
    %get3A_747 = arith.index_cast %get3A_746 : i32 to index
    %get3A_748 = arith.constant 80 : index
    %get3A_749 = tpu.vector_load %arg5[%get3A_747, %get3A_748] {strides = array<i32>} : memref<8x128xi32, #tpu.memory_space<vmem>>, vector<1x16xi32>,
    %get3A_750 = vector.shape_cast %get3A_749 : vector<1x16xi32> to vector<16xi32>
    %and3A_751 = arith.constant 15 : i32
    %and3A_752 = vector.broadcast %and3A_751 : i32 to vector<16xi32>
    %and3A_753 = arith.andi %get3A_750, %and3A_752 : vector<16xi32>
    %swap3A_754 = arith.constant 6 : i32
    %swap3A_755 = arith.index_cast %swap3A_754 : i32 to index
    %swap3A_756 = arith.constant 80 : index
    %swap3A_757 = tpu.vector_load %arg5[%swap3A_755, %swap3A_756] {strides = array<i32>} : memref<8x128xi32, #tpu.memory_space<vmem>>, vector<1x16xi32>,
    %swap3A_758 = vector.shape_cast %swap3A_757 : vector<1x16xi32> to vector<16xi32>
    %swap3A_759 = vector.shape_cast %and3A_753 : vector<16xi32> to vector<1x16xi32>
    tpu.vector_store %arg5[%swap3A_755, %swap3A_756], %swap3A_759 {strides = array<i32>} : memref<8x128xi32, #tpu.memory_space<vmem>>, vector<1x16xi32>,
    %get3A_760 = arith.constant 6 : i32
    %get3A_761 = arith.index_cast %get3A_760 : i32 to index
    %get3A_762 = arith.constant 96 : index
    %get3A_763 = tpu.vector_load %arg5[%get3A_761, %get3A_762] {strides = array<i32>} : memref<8x128xi32, #tpu.memory_space<vmem>>, vector<1x16xi32>,
    %get3A_764 = vector.shape_cast %get3A_763 : vector<1x16xi32> to vector<16xi32>
    %and3A_765 = arith.constant 15 : i32
    %and3A_766 = vector.broadcast %and3A_765 : i32 to vector<16xi32>
    %and3A_767 = arith.andi %get3A_764, %and3A_766 : vector<16xi32>
    %swap3A_768 = arith.constant 6 : i32
    %swap3A_769 = arith.index_cast %swap3A_768 : i32 to index
    %swap3A_770 = arith.constant 96 : index
    %swap3A_771 = tpu.vector_load %arg5[%swap3A_769, %swap3A_770] {strides = array<i32>} : memref<8x128xi32, #tpu.memory_space<vmem>>, vector<1x16xi32>,
    %swap3A_772 = vector.shape_cast %swap3A_771 : vector<1x16xi32> to vector<16xi32>
    %swap3A_773 = vector.shape_cast %and3A_767 : vector<16xi32> to vector<1x16xi32>
    tpu.vector_store %arg5[%swap3A_769, %swap3A_770], %swap3A_773 {strides = array<i32>} : memref<8x128xi32, #tpu.memory_space<vmem>>, vector<1x16xi32>,
    %get3A_774 = arith.constant 6 : i32
    %get3A_775 = arith.index_cast %get3A_774 : i32 to index
    %get3A_776 = arith.constant 112 : index
    %get3A_777 = tpu.vector_load %arg5[%get3A_775, %get3A_776] {strides = array<i32>} : memref<8x128xi32, #tpu.memory_space<vmem>>, vector<1x16xi32>,
    %get3A_778 = vector.shape_cast %get3A_777 : vector<1x16xi32> to vector<16xi32>
    %and3A_779 = arith.constant 15 : i32
    %and3A_780 = vector.broadcast %and3A_779 : i32 to vector<16xi32>
    %and3A_781 = arith.andi %get3A_778, %and3A_780 : vector<16xi32>
    %swap3A_782 = arith.constant 6 : i32
    %swap3A_783 = arith.index_cast %swap3A_782 : i32 to index
    %swap3A_784 = arith.constant 112 : index
    %swap3A_785 = tpu.vector_load %arg5[%swap3A_783, %swap3A_784] {strides = array<i32>} : memref<8x128xi32, #tpu.memory_space<vmem>>, vector<1x16xi32>,
    %swap3A_786 = vector.shape_cast %swap3A_785 : vector<1x16xi32> to vector<16xi32>
    %swap3A_787 = vector.shape_cast %and3A_781 : vector<16xi32> to vector<1x16xi32>
    tpu.vector_store %arg5[%swap3A_783, %swap3A_784], %swap3A_787 {strides = array<i32>} : memref<8x128xi32, #tpu.memory_space<vmem>>, vector<1x16xi32>,
    %get3A_788 = arith.constant 7 : i32
    %get3A_789 = arith.index_cast %get3A_788 : i32 to index
    %get3A_790 = arith.constant 0 : index
    %get3A_791 = tpu.vector_load %arg5[%get3A_789, %get3A_790] {strides = array<i32>} : memref<8x128xi32, #tpu.memory_space<vmem>>, vector<1x16xi32>,
    %get3A_792 = vector.shape_cast %get3A_791 : vector<1x16xi32> to vector<16xi32>
    %and3A_793 = arith.constant 15 : i32
    %and3A_794 = vector.broadcast %and3A_793 : i32 to vector<16xi32>
    %and3A_795 = arith.andi %get3A_792, %and3A_794 : vector<16xi32>
    %swap3A_796 = arith.constant 7 : i32
    %swap3A_797 = arith.index_cast %swap3A_796 : i32 to index
    %swap3A_798 = arith.constant 0 : index
    %swap3A_799 = tpu.vector_load %arg5[%swap3A_797, %swap3A_798] {strides = array<i32>} : memref<8x128xi32, #tpu.memory_space<vmem>>, vector<1x16xi32>,
    %swap3A_800 = vector.shape_cast %swap3A_799 : vector<1x16xi32> to vector<16xi32>
    %swap3A_801 = vector.shape_cast %and3A_795 : vector<16xi32> to vector<1x16xi32>
    tpu.vector_store %arg5[%swap3A_797, %swap3A_798], %swap3A_801 {strides = array<i32>} : memref<8x128xi32, #tpu.memory_space<vmem>>, vector<1x16xi32>,
    %get3A_802 = arith.constant 7 : i32
    %get3A_803 = arith.index_cast %get3A_802 : i32 to index
    %get3A_804 = arith.constant 16 : index
    %get3A_805 = tpu.vector_load %arg5[%get3A_803, %get3A_804] {strides = array<i32>} : memref<8x128xi32, #tpu.memory_space<vmem>>, vector<1x16xi32>,
    %get3A_806 = vector.shape_cast %get3A_805 : vector<1x16xi32> to vector<16xi32>
    %and3A_807 = arith.constant 15 : i32
    %and3A_808 = vector.broadcast %and3A_807 : i32 to vector<16xi32>
    %and3A_809 = arith.andi %get3A_806, %and3A_808 : vector<16xi32>
    %swap3A_810 = arith.constant 7 : i32
    %swap3A_811 = arith.index_cast %swap3A_810 : i32 to index
    %swap3A_812 = arith.constant 16 : index
    %swap3A_813 = tpu.vector_load %arg5[%swap3A_811, %swap3A_812] {strides = array<i32>} : memref<8x128xi32, #tpu.memory_space<vmem>>, vector<1x16xi32>,
    %swap3A_814 = vector.shape_cast %swap3A_813 : vector<1x16xi32> to vector<16xi32>
    %swap3A_815 = vector.shape_cast %and3A_809 : vector<16xi32> to vector<1x16xi32>
    tpu.vector_store %arg5[%swap3A_811, %swap3A_812], %swap3A_815 {strides = array<i32>} : memref<8x128xi32, #tpu.memory_space<vmem>>, vector<1x16xi32>,
    %get3A_816 = arith.constant 7 : i32
    %get3A_817 = arith.index_cast %get3A_816 : i32 to index
    %get3A_818 = arith.constant 32 : index
    %get3A_819 = tpu.vector_load %arg5[%get3A_817, %get3A_818] {strides = array<i32>} : memref<8x128xi32, #tpu.memory_space<vmem>>, vector<1x16xi32>,
    %get3A_820 = vector.shape_cast %get3A_819 : vector<1x16xi32> to vector<16xi32>
    %and3A_821 = arith.constant 15 : i32
    %and3A_822 = vector.broadcast %and3A_821 : i32 to vector<16xi32>
    %and3A_823 = arith.andi %get3A_820, %and3A_822 : vector<16xi32>
    %swap3A_824 = arith.constant 7 : i32
    %swap3A_825 = arith.index_cast %swap3A_824 : i32 to index
    %swap3A_826 = arith.constant 32 : index
    %swap3A_827 = tpu.vector_load %arg5[%swap3A_825, %swap3A_826] {strides = array<i32>} : memref<8x128xi32, #tpu.memory_space<vmem>>, vector<1x16xi32>,
    %swap3A_828 = vector.shape_cast %swap3A_827 : vector<1x16xi32> to vector<16xi32>
    %swap3A_829 = vector.shape_cast %and3A_823 : vector<16xi32> to vector<1x16xi32>
    tpu.vector_store %arg5[%swap3A_825, %swap3A_826], %swap3A_829 {strides = array<i32>} : memref<8x128xi32, #tpu.memory_space<vmem>>, vector<1x16xi32>,
    %get3A_830 = arith.constant 7 : i32
    %get3A_831 = arith.index_cast %get3A_830 : i32 to index
    %get3A_832 = arith.constant 48 : index
    %get3A_833 = tpu.vector_load %arg5[%get3A_831, %get3A_832] {strides = array<i32>} : memref<8x128xi32, #tpu.memory_space<vmem>>, vector<1x16xi32>,
    %get3A_834 = vector.shape_cast %get3A_833 : vector<1x16xi32> to vector<16xi32>
    %and3A_835 = arith.constant 15 : i32
    %and3A_836 = vector.broadcast %and3A_835 : i32 to vector<16xi32>
    %and3A_837 = arith.andi %get3A_834, %and3A_836 : vector<16xi32>
    %swap3A_838 = arith.constant 7 : i32
    %swap3A_839 = arith.index_cast %swap3A_838 : i32 to index
    %swap3A_840 = arith.constant 48 : index
    %swap3A_841 = tpu.vector_load %arg5[%swap3A_839, %swap3A_840] {strides = array<i32>} : memref<8x128xi32, #tpu.memory_space<vmem>>, vector<1x16xi32>,
    %swap3A_842 = vector.shape_cast %swap3A_841 : vector<1x16xi32> to vector<16xi32>
    %swap3A_843 = vector.shape_cast %and3A_837 : vector<16xi32> to vector<1x16xi32>
    tpu.vector_store %arg5[%swap3A_839, %swap3A_840], %swap3A_843 {strides = array<i32>} : memref<8x128xi32, #tpu.memory_space<vmem>>, vector<1x16xi32>,
    %get3A_844 = arith.constant 7 : i32
    %get3A_845 = arith.index_cast %get3A_844 : i32 to index
    %get3A_846 = arith.constant 64 : index
    %get3A_847 = tpu.vector_load %arg5[%get3A_845, %get3A_846] {strides = array<i32>} : memref<8x128xi32, #tpu.memory_space<vmem>>, vector<1x16xi32>,
    %get3A_848 = vector.shape_cast %get3A_847 : vector<1x16xi32> to vector<16xi32>
    %and3A_849 = arith.constant 15 : i32
    %and3A_850 = vector.broadcast %and3A_849 : i32 to vector<16xi32>
    %and3A_851 = arith.andi %get3A_848, %and3A_850 : vector<16xi32>
    %swap3A_852 = arith.constant 7 : i32
    %swap3A_853 = arith.index_cast %swap3A_852 : i32 to index
    %swap3A_854 = arith.constant 64 : index
    %swap3A_855 = tpu.vector_load %arg5[%swap3A_853, %swap3A_854] {strides = array<i32>} : memref<8x128xi32, #tpu.memory_space<vmem>>, vector<1x16xi32>,
    %swap3A_856 = vector.shape_cast %swap3A_855 : vector<1x16xi32> to vector<16xi32>
    %swap3A_857 = vector.shape_cast %and3A_851 : vector<16xi32> to vector<1x16xi32>
    tpu.vector_store %arg5[%swap3A_853, %swap3A_854], %swap3A_857 {strides = array<i32>} : memref<8x128xi32, #tpu.memory_space<vmem>>, vector<1x16xi32>,
    %get3A_858 = arith.constant 7 : i32
    %get3A_859 = arith.index_cast %get3A_858 : i32 to index
    %get3A_860 = arith.constant 80 : index
    %get3A_861 = tpu.vector_load %arg5[%get3A_859, %get3A_860] {strides = array<i32>} : memref<8x128xi32, #tpu.memory_space<vmem>>, vector<1x16xi32>,
    %get3A_862 = vector.shape_cast %get3A_861 : vector<1x16xi32> to vector<16xi32>
    %and3A_863 = arith.constant 15 : i32
    %and3A_864 = vector.broadcast %and3A_863 : i32 to vector<16xi32>
    %and3A_865 = arith.andi %get3A_862, %and3A_864 : vector<16xi32>
    %swap3A_866 = arith.constant 7 : i32
    %swap3A_867 = arith.index_cast %swap3A_866 : i32 to index
    %swap3A_868 = arith.constant 80 : index
    %swap3A_869 = tpu.vector_load %arg5[%swap3A_867, %swap3A_868] {strides = array<i32>} : memref<8x128xi32, #tpu.memory_space<vmem>>, vector<1x16xi32>,
    %swap3A_870 = vector.shape_cast %swap3A_869 : vector<1x16xi32> to vector<16xi32>
    %swap3A_871 = vector.shape_cast %and3A_865 : vector<16xi32> to vector<1x16xi32>
    tpu.vector_store %arg5[%swap3A_867, %swap3A_868], %swap3A_871 {strides = array<i32>} : memref<8x128xi32, #tpu.memory_space<vmem>>, vector<1x16xi32>,
    %get3A_872 = arith.constant 7 : i32
    %get3A_873 = arith.index_cast %get3A_872 : i32 to index
    %get3A_874 = arith.constant 96 : index
    %get3A_875 = tpu.vector_load %arg5[%get3A_873, %get3A_874] {strides = array<i32>} : memref<8x128xi32, #tpu.memory_space<vmem>>, vector<1x16xi32>,
    %get3A_876 = vector.shape_cast %get3A_875 : vector<1x16xi32> to vector<16xi32>
    %and3A_877 = arith.constant 15 : i32
    %and3A_878 = vector.broadcast %and3A_877 : i32 to vector<16xi32>
    %and3A_879 = arith.andi %get3A_876, %and3A_878 : vector<16xi32>
    %swap3A_880 = arith.constant 7 : i32
    %swap3A_881 = arith.index_cast %swap3A_880 : i32 to index
    %swap3A_882 = arith.constant 96 : index
    %swap3A_883 = tpu.vector_load %arg5[%swap3A_881, %swap3A_882] {strides = array<i32>} : memref<8x128xi32, #tpu.memory_space<vmem>>, vector<1x16xi32>,
    %swap3A_884 = vector.shape_cast %swap3A_883 : vector<1x16xi32> to vector<16xi32>
    %swap3A_885 = vector.shape_cast %and3A_879 : vector<16xi32> to vector<1x16xi32>
    tpu.vector_store %arg5[%swap3A_881, %swap3A_882], %swap3A_885 {strides = array<i32>} : memref<8x128xi32, #tpu.memory_space<vmem>>, vector<1x16xi32>,
    %get3A_886 = arith.constant 7 : i32
    %get3A_887 = arith.index_cast %get3A_886 : i32 to index
    %get3A_888 = arith.constant 112 : index
    %get3A_889 = tpu.vector_load %arg5[%get3A_887, %get3A_888] {strides = array<i32>} : memref<8x128xi32, #tpu.memory_space<vmem>>, vector<1x16xi32>,
    %get3A_890 = vector.shape_cast %get3A_889 : vector<1x16xi32> to vector<16xi32>
    %and3A_891 = arith.constant 15 : i32
    %and3A_892 = vector.broadcast %and3A_891 : i32 to vector<16xi32>
    %and3A_893 = arith.andi %get3A_890, %and3A_892 : vector<16xi32>
    %swap3A_894 = arith.constant 7 : i32
    %swap3A_895 = arith.index_cast %swap3A_894 : i32 to index
    %swap3A_896 = arith.constant 112 : index
    %swap3A_897 = tpu.vector_load %arg5[%swap3A_895, %swap3A_896] {strides = array<i32>} : memref<8x128xi32, #tpu.memory_space<vmem>>, vector<1x16xi32>,
    %swap3A_898 = vector.shape_cast %swap3A_897 : vector<1x16xi32> to vector<16xi32>
    %swap3A_899 = vector.shape_cast %and3A_893 : vector<16xi32> to vector<1x16xi32>
    tpu.vector_store %arg5[%swap3A_895, %swap3A_896], %swap3A_899 {strides = array<i32>} : memref<8x128xi32, #tpu.memory_space<vmem>>, vector<1x16xi32>,
    %dma_start3A = arith.constant 0 : i32
    %dma_start3A_900 = arith.constant 0 : i32
    %dma_start3A_901 = arith.constant 0 : i32
    %dma_start3A_902 = arith.constant 0 : i32
    %dma_start3A_903 = arith.constant 0 : i32
    %dma_start3A_904 = tpu.memref_slice %arg7[%dma_start3A_900, %dma_start3A_902, %dma_start3A_903] : memref<7x128x128xf32, #tpu.memory_space<vmem>> -> memref<1x128x128xf32, #tpu.memory_space<vmem>>
    %dma_start3A_905 = tpu.memref_squeeze %dma_start3A_904 : memref<1x128x128xf32, #tpu.memory_space<vmem>> -> memref<128x128xf32, #tpu.memory_space<vmem>>
    %dma_start3A_906 = arith.constant 0 : i32
    %dma_start3A_907 = tpu.memref_slice %arg5[%dma_start3A, %dma_start3A_906] : memref<8x128xi32, #tpu.memory_space<vmem>> -> memref<1x128xi32, #tpu.memory_space<vmem>>
    %dma_start3A_908 = tpu.memref_squeeze %dma_start3A_907 : memref<1x128xi32, #tpu.memory_space<vmem>> -> memref<128xi32, #tpu.memory_space<vmem>>
    %dma_start3A_909 = arith.constant 0 : i32
    %dma_start3A_910 = arith.constant 0 : i32
    %dma_start3A_911 = tpu.memref_slice %arg6[%dma_start3A_909, %dma_start3A_910] : memref<16x128xf32, #tpu.memory_space<vmem_shared>> -> memref<16x128xf32, #tpu.memory_space<vmem_shared>>
    %dma_start3A_912 = tpu.memref_slice %arg8[%dma_start3A_901] : memref<7x!tpu.dma_semaphore, #tpu.memory_space<semaphore_mem>> -> memref<1x!tpu.dma_semaphore, #tpu.memory_space<semaphore_mem>>
    %dma_start3A_913 = tpu.memref_squeeze %dma_start3A_912 : memref<1x!tpu.dma_semaphore, #tpu.memory_space<semaphore_mem>> -> memref<!tpu.dma_semaphore, #tpu.memory_space<semaphore_mem>>
    tpu.enqueue_indirect_dma source(%dma_start3A_911 : memref<16x128xf32, #tpu.memory_space<vmem_shared>>) target(%dma_start3A_905 : memref<128x128xf32, #tpu.memory_space<vmem>>) offsets(%dma_start3A_908 : memref<128xi32, #tpu.memory_space<vmem>>) semaphore(%dma_start3A_913 : memref<!tpu.dma_semaphore, #tpu.memory_space<semaphore_mem>>)
    %dma_start3A_914 = arith.constant 1 : i32
    %dma_start3A_915 = arith.constant 1 : i32
    %dma_start3A_916 = arith.constant 1 : i32
    %dma_start3A_917 = arith.constant 0 : i32
    %dma_start3A_918 = arith.constant 0 : i32
    %dma_start3A_919 = tpu.memref_slice %arg7[%dma_start3A_915, %dma_start3A_917, %dma_start3A_918] : memref<7x128x128xf32, #tpu.memory_space<vmem>> -> memref<1x128x128xf32, #tpu.memory_space<vmem>>
    %dma_start3A_920 = tpu.memref_squeeze %dma_start3A_919 : memref<1x128x128xf32, #tpu.memory_space<vmem>> -> memref<128x128xf32, #tpu.memory_space<vmem>>
    %dma_start3A_921 = arith.constant 0 : i32
    %dma_start3A_922 = tpu.memref_slice %arg5[%dma_start3A_914, %dma_start3A_921] : memref<8x128xi32, #tpu.memory_space<vmem>> -> memref<1x128xi32, #tpu.memory_space<vmem>>
    %dma_start3A_923 = tpu.memref_squeeze %dma_start3A_922 : memref<1x128xi32, #tpu.memory_space<vmem>> -> memref<128xi32, #tpu.memory_space<vmem>>
    %dma_start3A_924 = arith.constant 0 : i32
    %dma_start3A_925 = arith.constant 0 : i32
    %dma_start3A_926 = tpu.memref_slice %arg6[%dma_start3A_924, %dma_start3A_925] : memref<16x128xf32, #tpu.memory_space<vmem_shared>> -> memref<16x128xf32, #tpu.memory_space<vmem_shared>>
    %dma_start3A_927 = tpu.memref_slice %arg8[%dma_start3A_916] : memref<7x!tpu.dma_semaphore, #tpu.memory_space<semaphore_mem>> -> memref<1x!tpu.dma_semaphore, #tpu.memory_space<semaphore_mem>>
    %dma_start3A_928 = tpu.memref_squeeze %dma_start3A_927 : memref<1x!tpu.dma_semaphore, #tpu.memory_space<semaphore_mem>> -> memref<!tpu.dma_semaphore, #tpu.memory_space<semaphore_mem>>
    tpu.enqueue_indirect_dma source(%dma_start3A_926 : memref<16x128xf32, #tpu.memory_space<vmem_shared>>) target(%dma_start3A_920 : memref<128x128xf32, #tpu.memory_space<vmem>>) offsets(%dma_start3A_923 : memref<128xi32, #tpu.memory_space<vmem>>) semaphore(%dma_start3A_928 : memref<!tpu.dma_semaphore, #tpu.memory_space<semaphore_mem>>)
    %dma_start3A_929 = arith.constant 2 : i32
    %dma_start3A_930 = arith.constant 2 : i32
    %dma_start3A_931 = arith.constant 2 : i32
    %dma_start3A_932 = arith.constant 0 : i32
    %dma_start3A_933 = arith.constant 0 : i32
    %dma_start3A_934 = tpu.memref_slice %arg7[%dma_start3A_930, %dma_start3A_932, %dma_start3A_933] : memref<7x128x128xf32, #tpu.memory_space<vmem>> -> memref<1x128x128xf32, #tpu.memory_space<vmem>>
    %dma_start3A_935 = tpu.memref_squeeze %dma_start3A_934 : memref<1x128x128xf32, #tpu.memory_space<vmem>> -> memref<128x128xf32, #tpu.memory_space<vmem>>
    %dma_start3A_936 = arith.constant 0 : i32
    %dma_start3A_937 = tpu.memref_slice %arg5[%dma_start3A_929, %dma_start3A_936] : memref<8x128xi32, #tpu.memory_space<vmem>> -> memref<1x128xi32, #tpu.memory_space<vmem>>
    %dma_start3A_938 = tpu.memref_squeeze %dma_start3A_937 : memref<1x128xi32, #tpu.memory_space<vmem>> -> memref<128xi32, #tpu.memory_space<vmem>>
    %dma_start3A_939 = arith.constant 0 : i32
    %dma_start3A_940 = arith.constant 0 : i32
    %dma_start3A_941 = tpu.memref_slice %arg6[%dma_start3A_939, %dma_start3A_940] : memref<16x128xf32, #tpu.memory_space<vmem_shared>> -> memref<16x128xf32, #tpu.memory_space<vmem_shared>>
    %dma_start3A_942 = tpu.memref_slice %arg8[%dma_start3A_931] : memref<7x!tpu.dma_semaphore, #tpu.memory_space<semaphore_mem>> -> memref<1x!tpu.dma_semaphore, #tpu.memory_space<semaphore_mem>>
    %dma_start3A_943 = tpu.memref_squeeze %dma_start3A_942 : memref<1x!tpu.dma_semaphore, #tpu.memory_space<semaphore_mem>> -> memref<!tpu.dma_semaphore, #tpu.memory_space<semaphore_mem>>
    tpu.enqueue_indirect_dma source(%dma_start3A_941 : memref<16x128xf32, #tpu.memory_space<vmem_shared>>) target(%dma_start3A_935 : memref<128x128xf32, #tpu.memory_space<vmem>>) offsets(%dma_start3A_938 : memref<128xi32, #tpu.memory_space<vmem>>) semaphore(%dma_start3A_943 : memref<!tpu.dma_semaphore, #tpu.memory_space<semaphore_mem>>)
    %dma_start3A_944 = arith.constant 3 : i32
    %dma_start3A_945 = arith.constant 3 : i32
    %dma_start3A_946 = arith.constant 3 : i32
    %dma_start3A_947 = arith.constant 0 : i32
    %dma_start3A_948 = arith.constant 0 : i32
    %dma_start3A_949 = tpu.memref_slice %arg7[%dma_start3A_945, %dma_start3A_947, %dma_start3A_948] : memref<7x128x128xf32, #tpu.memory_space<vmem>> -> memref<1x128x128xf32, #tpu.memory_space<vmem>>
    %dma_start3A_950 = tpu.memref_squeeze %dma_start3A_949 : memref<1x128x128xf32, #tpu.memory_space<vmem>> -> memref<128x128xf32, #tpu.memory_space<vmem>>
    %dma_start3A_951 = arith.constant 0 : i32
    %dma_start3A_952 = tpu.memref_slice %arg5[%dma_start3A_944, %dma_start3A_951] : memref<8x128xi32, #tpu.memory_space<vmem>> -> memref<1x128xi32, #tpu.memory_space<vmem>>
    %dma_start3A_953 = tpu.memref_squeeze %dma_start3A_952 : memref<1x128xi32, #tpu.memory_space<vmem>> -> memref<128xi32, #tpu.memory_space<vmem>>
    %dma_start3A_954 = arith.constant 0 : i32
    %dma_start3A_955 = arith.constant 0 : i32
    %dma_start3A_956 = tpu.memref_slice %arg6[%dma_start3A_954, %dma_start3A_955] : memref<16x128xf32, #tpu.memory_space<vmem_shared>> -> memref<16x128xf32, #tpu.memory_space<vmem_shared>>
    %dma_start3A_957 = tpu.memref_slice %arg8[%dma_start3A_946] : memref<7x!tpu.dma_semaphore, #tpu.memory_space<semaphore_mem>> -> memref<1x!tpu.dma_semaphore, #tpu.memory_space<semaphore_mem>>
    %dma_start3A_958 = tpu.memref_squeeze %dma_start3A_957 : memref<1x!tpu.dma_semaphore, #tpu.memory_space<semaphore_mem>> -> memref<!tpu.dma_semaphore, #tpu.memory_space<semaphore_mem>>
    tpu.enqueue_indirect_dma source(%dma_start3A_956 : memref<16x128xf32, #tpu.memory_space<vmem_shared>>) target(%dma_start3A_950 : memref<128x128xf32, #tpu.memory_space<vmem>>) offsets(%dma_start3A_953 : memref<128xi32, #tpu.memory_space<vmem>>) semaphore(%dma_start3A_958 : memref<!tpu.dma_semaphore, #tpu.memory_space<semaphore_mem>>)
    %dma_start3A_959 = arith.constant 4 : i32
    %dma_start3A_960 = arith.constant 4 : i32
    %dma_start3A_961 = arith.constant 4 : i32
    %dma_start3A_962 = arith.constant 0 : i32
    %dma_start3A_963 = arith.constant 0 : i32
    %dma_start3A_964 = tpu.memref_slice %arg7[%dma_start3A_960, %dma_start3A_962, %dma_start3A_963] : memref<7x128x128xf32, #tpu.memory_space<vmem>> -> memref<1x128x128xf32, #tpu.memory_space<vmem>>
    %dma_start3A_965 = tpu.memref_squeeze %dma_start3A_964 : memref<1x128x128xf32, #tpu.memory_space<vmem>> -> memref<128x128xf32, #tpu.memory_space<vmem>>
    %dma_start3A_966 = arith.constant 0 : i32
    %dma_start3A_967 = tpu.memref_slice %arg5[%dma_start3A_959, %dma_start3A_966] : memref<8x128xi32, #tpu.memory_space<vmem>> -> memref<1x128xi32, #tpu.memory_space<vmem>>
    %dma_start3A_968 = tpu.memref_squeeze %dma_start3A_967 : memref<1x128xi32, #tpu.memory_space<vmem>> -> memref<128xi32, #tpu.memory_space<vmem>>
    %dma_start3A_969 = arith.constant 0 : i32
    %dma_start3A_970 = arith.constant 0 : i32
    %dma_start3A_971 = tpu.memref_slice %arg6[%dma_start3A_969, %dma_start3A_970] : memref<16x128xf32, #tpu.memory_space<vmem_shared>> -> memref<16x128xf32, #tpu.memory_space<vmem_shared>>
    %dma_start3A_972 = tpu.memref_slice %arg8[%dma_start3A_961] : memref<7x!tpu.dma_semaphore, #tpu.memory_space<semaphore_mem>> -> memref<1x!tpu.dma_semaphore, #tpu.memory_space<semaphore_mem>>
    %dma_start3A_973 = tpu.memref_squeeze %dma_start3A_972 : memref<1x!tpu.dma_semaphore, #tpu.memory_space<semaphore_mem>> -> memref<!tpu.dma_semaphore, #tpu.memory_space<semaphore_mem>>
    tpu.enqueue_indirect_dma source(%dma_start3A_971 : memref<16x128xf32, #tpu.memory_space<vmem_shared>>) target(%dma_start3A_965 : memref<128x128xf32, #tpu.memory_space<vmem>>) offsets(%dma_start3A_968 : memref<128xi32, #tpu.memory_space<vmem>>) semaphore(%dma_start3A_973 : memref<!tpu.dma_semaphore, #tpu.memory_space<semaphore_mem>>)
    %dma_start3A_974 = arith.constant 5 : i32
    %dma_start3A_975 = arith.constant 5 : i32
    %dma_start3A_976 = arith.constant 5 : i32
    %dma_start3A_977 = arith.constant 0 : i32
    %dma_start3A_978 = arith.constant 0 : i32
    %dma_start3A_979 = tpu.memref_slice %arg7[%dma_start3A_975, %dma_start3A_977, %dma_start3A_978] : memref<7x128x128xf32, #tpu.memory_space<vmem>> -> memref<1x128x128xf32, #tpu.memory_space<vmem>>
    %dma_start3A_980 = tpu.memref_squeeze %dma_start3A_979 : memref<1x128x128xf32, #tpu.memory_space<vmem>> -> memref<128x128xf32, #tpu.memory_space<vmem>>
    %dma_start3A_981 = arith.constant 0 : i32
    %dma_start3A_982 = tpu.memref_slice %arg5[%dma_start3A_974, %dma_start3A_981] : memref<8x128xi32, #tpu.memory_space<vmem>> -> memref<1x128xi32, #tpu.memory_space<vmem>>
    %dma_start3A_983 = tpu.memref_squeeze %dma_start3A_982 : memref<1x128xi32, #tpu.memory_space<vmem>> -> memref<128xi32, #tpu.memory_space<vmem>>
    %dma_start3A_984 = arith.constant 0 : i32
    %dma_start3A_985 = arith.constant 0 : i32
    %dma_start3A_986 = tpu.memref_slice %arg6[%dma_start3A_984, %dma_start3A_985] : memref<16x128xf32, #tpu.memory_space<vmem_shared>> -> memref<16x128xf32, #tpu.memory_space<vmem_shared>>
    %dma_start3A_987 = tpu.memref_slice %arg8[%dma_start3A_976] : memref<7x!tpu.dma_semaphore, #tpu.memory_space<semaphore_mem>> -> memref<1x!tpu.dma_semaphore, #tpu.memory_space<semaphore_mem>>
    %dma_start3A_988 = tpu.memref_squeeze %dma_start3A_987 : memref<1x!tpu.dma_semaphore, #tpu.memory_space<semaphore_mem>> -> memref<!tpu.dma_semaphore, #tpu.memory_space<semaphore_mem>>
    tpu.enqueue_indirect_dma source(%dma_start3A_986 : memref<16x128xf32, #tpu.memory_space<vmem_shared>>) target(%dma_start3A_980 : memref<128x128xf32, #tpu.memory_space<vmem>>) offsets(%dma_start3A_983 : memref<128xi32, #tpu.memory_space<vmem>>) semaphore(%dma_start3A_988 : memref<!tpu.dma_semaphore, #tpu.memory_space<semaphore_mem>>)
    %dma_start3A_989 = arith.constant 6 : i32
    %dma_start3A_990 = arith.constant 6 : i32
    %dma_start3A_991 = arith.constant 6 : i32
    %dma_start3A_992 = arith.constant 0 : i32
    %dma_start3A_993 = arith.constant 0 : i32
    %dma_start3A_994 = tpu.memref_slice %arg7[%dma_start3A_990, %dma_start3A_992, %dma_start3A_993] : memref<7x128x128xf32, #tpu.memory_space<vmem>> -> memref<1x128x128xf32, #tpu.memory_space<vmem>>
    %dma_start3A_995 = tpu.memref_squeeze %dma_start3A_994 : memref<1x128x128xf32, #tpu.memory_space<vmem>> -> memref<128x128xf32, #tpu.memory_space<vmem>>
    %dma_start3A_996 = arith.constant 0 : i32
    %dma_start3A_997 = tpu.memref_slice %arg5[%dma_start3A_989, %dma_start3A_996] : memref<8x128xi32, #tpu.memory_space<vmem>> -> memref<1x128xi32, #tpu.memory_space<vmem>>
    %dma_start3A_998 = tpu.memref_squeeze %dma_start3A_997 : memref<1x128xi32, #tpu.memory_space<vmem>> -> memref<128xi32, #tpu.memory_space<vmem>>
    %dma_start3A_999 = arith.constant 0 : i32
    %dma_start3A_1000 = arith.constant 0 : i32
    %dma_start3A_1001 = tpu.memref_slice %arg6[%dma_start3A_999, %dma_start3A_1000] : memref<16x128xf32, #tpu.memory_space<vmem_shared>> -> memref<16x128xf32, #tpu.memory_space<vmem_shared>>
    %dma_start3A_1002 = tpu.memref_slice %arg8[%dma_start3A_991] : memref<7x!tpu.dma_semaphore, #tpu.memory_space<semaphore_mem>> -> memref<1x!tpu.dma_semaphore, #tpu.memory_space<semaphore_mem>>
    %dma_start3A_1003 = tpu.memref_squeeze %dma_start3A_1002 : memref<1x!tpu.dma_semaphore, #tpu.memory_space<semaphore_mem>> -> memref<!tpu.dma_semaphore, #tpu.memory_space<semaphore_mem>>
    tpu.enqueue_indirect_dma source(%dma_start3A_1001 : memref<16x128xf32, #tpu.memory_space<vmem_shared>>) target(%dma_start3A_995 : memref<128x128xf32, #tpu.memory_space<vmem>>) offsets(%dma_start3A_998 : memref<128xi32, #tpu.memory_space<vmem>>) semaphore(%dma_start3A_1003 : memref<!tpu.dma_semaphore, #tpu.memory_space<semaphore_mem>>)
    %dma_wait3A = arith.constant 0 : i32
    %dma_wait3A_1004 = arith.constant 0 : i32
    %dma_wait3A_1005 = arith.constant 0 : i32
    %dma_wait3A_1006 = arith.constant 0 : i32
    %dma_wait3A_1007 = arith.constant 0 : i32
    %dma_wait3A_1008 = tpu.memref_slice %arg7[%dma_wait3A_1004, %dma_wait3A_1006, %dma_wait3A_1007] : memref<7x128x128xf32, #tpu.memory_space<vmem>> -> memref<1x128x128xf32, #tpu.memory_space<vmem>>
    %dma_wait3A_1009 = tpu.memref_squeeze %dma_wait3A_1008 : memref<1x128x128xf32, #tpu.memory_space<vmem>> -> memref<128x128xf32, #tpu.memory_space<vmem>>
    %dma_wait3A_1010 = arith.constant 0 : i32
    %dma_wait3A_1011 = tpu.memref_slice %arg5[%dma_wait3A, %dma_wait3A_1010] : memref<8x128xi32, #tpu.memory_space<vmem>> -> memref<1x128xi32, #tpu.memory_space<vmem>>
    %dma_wait3A_1012 = tpu.memref_squeeze %dma_wait3A_1011 : memref<1x128xi32, #tpu.memory_space<vmem>> -> memref<128xi32, #tpu.memory_space<vmem>>
    %dma_wait3A_1013 = arith.constant 0 : i32
    %dma_wait3A_1014 = arith.constant 0 : i32
    %dma_wait3A_1015 = tpu.memref_slice %arg6[%dma_wait3A_1013, %dma_wait3A_1014] : memref<16x128xf32, #tpu.memory_space<vmem_shared>> -> memref<16x128xf32, #tpu.memory_space<vmem_shared>>
    %dma_wait3A_1016 = tpu.memref_slice %arg8[%dma_wait3A_1005] : memref<7x!tpu.dma_semaphore, #tpu.memory_space<semaphore_mem>> -> memref<1x!tpu.dma_semaphore, #tpu.memory_space<semaphore_mem>>
    %dma_wait3A_1017 = tpu.memref_squeeze %dma_wait3A_1016 : memref<1x!tpu.dma_semaphore, #tpu.memory_space<semaphore_mem>> -> memref<!tpu.dma_semaphore, #tpu.memory_space<semaphore_mem>>
    tpu.wait_indirect_dma semaphore(%dma_wait3A_1017 : memref<!tpu.dma_semaphore, #tpu.memory_space<semaphore_mem>>) src(%dma_wait3A_1015 : memref<16x128xf32, #tpu.memory_space<vmem_shared>>) dst(%dma_wait3A_1009 : memref<128x128xf32, #tpu.memory_space<vmem>>)
    %add3A_1018 = arith.constant 0 : i32
    %add3A_1019 = arith.addi %mul3A_2, %add3A_1018 : i32
    %dma_start3A_1020 = arith.constant 0 : i32
    %dma_start3A_1021 = arith.constant 0 : i32
    %dma_start3A_1022 = arith.constant 0 : i32
    %dma_start3A_1023 = arith.constant 0 : i32
    %dma_start3A_1024 = tpu.memref_slice %arg7[%dma_start3A_1020, %dma_start3A_1022, %dma_start3A_1023] : memref<7x128x128xf32, #tpu.memory_space<vmem>> -> memref<1x128x128xf32, #tpu.memory_space<vmem>>
    %dma_start3A_1025 = tpu.memref_squeeze %dma_start3A_1024 : memref<1x128x128xf32, #tpu.memory_space<vmem>> -> memref<128x128xf32, #tpu.memory_space<vmem>>
    %dma_start3A_1026 = arith.constant 0 : i32
    %dma_start3A_1027 = tpu.memref_slice %arg4[%add3A_1019, %dma_start3A_1026] : memref<32768x128xf32, #tpu.memory_space<hbm>> -> memref<128x128xf32, #tpu.memory_space<hbm>>
    %dma_start3A_1028 = tpu.memref_slice %arg9[%dma_start3A_1021] : memref<7x!tpu.dma_semaphore, #tpu.memory_space<semaphore_mem>> -> memref<1x!tpu.dma_semaphore, #tpu.memory_space<semaphore_mem>>
    %dma_start3A_1029 = tpu.memref_squeeze %dma_start3A_1028 : memref<1x!tpu.dma_semaphore, #tpu.memory_space<semaphore_mem>> -> memref<!tpu.dma_semaphore, #tpu.memory_space<semaphore_mem>>
    %dma_start3A_1030 = arith.constant 0 : i32
    %dma_start3A_1031 = tpu.memref_slice %arg4[%add3A_1019, %dma_start3A_1030] : memref<32768x128xf32, #tpu.memory_space<hbm>> -> memref<128x128xf32, #tpu.memory_space<hbm>>
    %dma_start3A_1032 = arith.constant 0 : i32
    %dma_start3A_1033 = arith.constant 0 : i32
    %dma_start3A_1034 = tpu.memref_slice %arg7[%dma_start3A_1020, %dma_start3A_1032, %dma_start3A_1033] : memref<7x128x128xf32, #tpu.memory_space<vmem>> -> memref<1x128x128xf32, #tpu.memory_space<vmem>>
    %dma_start3A_1035 = tpu.memref_squeeze %dma_start3A_1034 : memref<1x128x128xf32, #tpu.memory_space<vmem>> -> memref<128x128xf32, #tpu.memory_space<vmem>>
    tpu.enqueue_dma source(%dma_start3A_1035 : memref<128x128xf32, #tpu.memory_space<vmem>>) target(%dma_start3A_1031 : memref<128x128xf32, #tpu.memory_space<hbm>>) target_semaphore(%dma_start3A_1029 : memref<!tpu.dma_semaphore, #tpu.memory_space<semaphore_mem>>)
    %dma_wait3A_1036 = arith.constant 1 : i32
    %dma_wait3A_1037 = arith.constant 1 : i32
    %dma_wait3A_1038 = arith.constant 1 : i32
    %dma_wait3A_1039 = arith.constant 0 : i32
    %dma_wait3A_1040 = arith.constant 0 : i32
    %dma_wait3A_1041 = tpu.memref_slice %arg7[%dma_wait3A_1037, %dma_wait3A_1039, %dma_wait3A_1040] : memref<7x128x128xf32, #tpu.memory_space<vmem>> -> memref<1x128x128xf32, #tpu.memory_space<vmem>>
    %dma_wait3A_1042 = tpu.memref_squeeze %dma_wait3A_1041 : memref<1x128x128xf32, #tpu.memory_space<vmem>> -> memref<128x128xf32, #tpu.memory_space<vmem>>
    %dma_wait3A_1043 = arith.constant 0 : i32
    %dma_wait3A_1044 = tpu.memref_slice %arg5[%dma_wait3A_1036, %dma_wait3A_1043] : memref<8x128xi32, #tpu.memory_space<vmem>> -> memref<1x128xi32, #tpu.memory_space<vmem>>
    %dma_wait3A_1045 = tpu.memref_squeeze %dma_wait3A_1044 : memref<1x128xi32, #tpu.memory_space<vmem>> -> memref<128xi32, #tpu.memory_space<vmem>>
    %dma_wait3A_1046 = arith.constant 0 : i32
    %dma_wait3A_1047 = arith.constant 0 : i32
    %dma_wait3A_1048 = tpu.memref_slice %arg6[%dma_wait3A_1046, %dma_wait3A_1047] : memref<16x128xf32, #tpu.memory_space<vmem_shared>> -> memref<16x128xf32, #tpu.memory_space<vmem_shared>>
    %dma_wait3A_1049 = tpu.memref_slice %arg8[%dma_wait3A_1038] : memref<7x!tpu.dma_semaphore, #tpu.memory_space<semaphore_mem>> -> memref<1x!tpu.dma_semaphore, #tpu.memory_space<semaphore_mem>>
    %dma_wait3A_1050 = tpu.memref_squeeze %dma_wait3A_1049 : memref<1x!tpu.dma_semaphore, #tpu.memory_space<semaphore_mem>> -> memref<!tpu.dma_semaphore, #tpu.memory_space<semaphore_mem>>
    tpu.wait_indirect_dma semaphore(%dma_wait3A_1050 : memref<!tpu.dma_semaphore, #tpu.memory_space<semaphore_mem>>) src(%dma_wait3A_1048 : memref<16x128xf32, #tpu.memory_space<vmem_shared>>) dst(%dma_wait3A_1042 : memref<128x128xf32, #tpu.memory_space<vmem>>)
    %add3A_1051 = arith.constant 128 : i32
    %add3A_1052 = arith.addi %mul3A_2, %add3A_1051 : i32
    %dma_start3A_1053 = arith.constant 1 : i32
    %dma_start3A_1054 = arith.constant 1 : i32
    %dma_start3A_1055 = arith.constant 0 : i32
    %dma_start3A_1056 = arith.constant 0 : i32
    %dma_start3A_1057 = tpu.memref_slice %arg7[%dma_start3A_1053, %dma_start3A_1055, %dma_start3A_1056] : memref<7x128x128xf32, #tpu.memory_space<vmem>> -> memref<1x128x128xf32, #tpu.memory_space<vmem>>
    %dma_start3A_1058 = tpu.memref_squeeze %dma_start3A_1057 : memref<1x128x128xf32, #tpu.memory_space<vmem>> -> memref<128x128xf32, #tpu.memory_space<vmem>>
    %dma_start3A_1059 = arith.constant 0 : i32
    %dma_start3A_1060 = tpu.memref_slice %arg4[%add3A_1052, %dma_start3A_1059] : memref<32768x128xf32, #tpu.memory_space<hbm>> -> memref<128x128xf32, #tpu.memory_space<hbm>>
    %dma_start3A_1061 = tpu.memref_slice %arg9[%dma_start3A_1054] : memref<7x!tpu.dma_semaphore, #tpu.memory_space<semaphore_mem>> -> memref<1x!tpu.dma_semaphore, #tpu.memory_space<semaphore_mem>>
    %dma_start3A_1062 = tpu.memref_squeeze %dma_start3A_1061 : memref<1x!tpu.dma_semaphore, #tpu.memory_space<semaphore_mem>> -> memref<!tpu.dma_semaphore, #tpu.memory_space<semaphore_mem>>
    %dma_start3A_1063 = arith.constant 0 : i32
    %dma_start3A_1064 = tpu.memref_slice %arg4[%add3A_1052, %dma_start3A_1063] : memref<32768x128xf32, #tpu.memory_space<hbm>> -> memref<128x128xf32, #tpu.memory_space<hbm>>
    %dma_start3A_1065 = arith.constant 0 : i32
    %dma_start3A_1066 = arith.constant 0 : i32
    %dma_start3A_1067 = tpu.memref_slice %arg7[%dma_start3A_1053, %dma_start3A_1065, %dma_start3A_1066] : memref<7x128x128xf32, #tpu.memory_space<vmem>> -> memref<1x128x128xf32, #tpu.memory_space<vmem>>
    %dma_start3A_1068 = tpu.memref_squeeze %dma_start3A_1067 : memref<1x128x128xf32, #tpu.memory_space<vmem>> -> memref<128x128xf32, #tpu.memory_space<vmem>>
    tpu.enqueue_dma source(%dma_start3A_1068 : memref<128x128xf32, #tpu.memory_space<vmem>>) target(%dma_start3A_1064 : memref<128x128xf32, #tpu.memory_space<hbm>>) target_semaphore(%dma_start3A_1062 : memref<!tpu.dma_semaphore, #tpu.memory_space<semaphore_mem>>)
    %dma_wait3A_1069 = arith.constant 2 : i32
    %dma_wait3A_1070 = arith.constant 2 : i32
    %dma_wait3A_1071 = arith.constant 2 : i32
    %dma_wait3A_1072 = arith.constant 0 : i32
    %dma_wait3A_1073 = arith.constant 0 : i32
    %dma_wait3A_1074 = tpu.memref_slice %arg7[%dma_wait3A_1070, %dma_wait3A_1072, %dma_wait3A_1073] : memref<7x128x128xf32, #tpu.memory_space<vmem>> -> memref<1x128x128xf32, #tpu.memory_space<vmem>>
    %dma_wait3A_1075 = tpu.memref_squeeze %dma_wait3A_1074 : memref<1x128x128xf32, #tpu.memory_space<vmem>> -> memref<128x128xf32, #tpu.memory_space<vmem>>
    %dma_wait3A_1076 = arith.constant 0 : i32
    %dma_wait3A_1077 = tpu.memref_slice %arg5[%dma_wait3A_1069, %dma_wait3A_1076] : memref<8x128xi32, #tpu.memory_space<vmem>> -> memref<1x128xi32, #tpu.memory_space<vmem>>
    %dma_wait3A_1078 = tpu.memref_squeeze %dma_wait3A_1077 : memref<1x128xi32, #tpu.memory_space<vmem>> -> memref<128xi32, #tpu.memory_space<vmem>>
    %dma_wait3A_1079 = arith.constant 0 : i32
    %dma_wait3A_1080 = arith.constant 0 : i32
    %dma_wait3A_1081 = tpu.memref_slice %arg6[%dma_wait3A_1079, %dma_wait3A_1080] : memref<16x128xf32, #tpu.memory_space<vmem_shared>> -> memref<16x128xf32, #tpu.memory_space<vmem_shared>>
    %dma_wait3A_1082 = tpu.memref_slice %arg8[%dma_wait3A_1071] : memref<7x!tpu.dma_semaphore, #tpu.memory_space<semaphore_mem>> -> memref<1x!tpu.dma_semaphore, #tpu.memory_space<semaphore_mem>>
    %dma_wait3A_1083 = tpu.memref_squeeze %dma_wait3A_1082 : memref<1x!tpu.dma_semaphore, #tpu.memory_space<semaphore_mem>> -> memref<!tpu.dma_semaphore, #tpu.memory_space<semaphore_mem>>
    tpu.wait_indirect_dma semaphore(%dma_wait3A_1083 : memref<!tpu.dma_semaphore, #tpu.memory_space<semaphore_mem>>) src(%dma_wait3A_1081 : memref<16x128xf32, #tpu.memory_space<vmem_shared>>) dst(%dma_wait3A_1075 : memref<128x128xf32, #tpu.memory_space<vmem>>)
    %add3A_1084 = arith.constant 256 : i32
    %add3A_1085 = arith.addi %mul3A_2, %add3A_1084 : i32
    %dma_start3A_1086 = arith.constant 2 : i32
    %dma_start3A_1087 = arith.constant 2 : i32
    %dma_start3A_1088 = arith.constant 0 : i32
    %dma_start3A_1089 = arith.constant 0 : i32
    %dma_start3A_1090 = tpu.memref_slice %arg7[%dma_start3A_1086, %dma_start3A_1088, %dma_start3A_1089] : memref<7x128x128xf32, #tpu.memory_space<vmem>> -> memref<1x128x128xf32, #tpu.memory_space<vmem>>
    %dma_start3A_1091 = tpu.memref_squeeze %dma_start3A_1090 : memref<1x128x128xf32, #tpu.memory_space<vmem>> -> memref<128x128xf32, #tpu.memory_space<vmem>>
    %dma_start3A_1092 = arith.constant 0 : i32
    %dma_start3A_1093 = tpu.memref_slice %arg4[%add3A_1085, %dma_start3A_1092] : memref<32768x128xf32, #tpu.memory_space<hbm>> -> memref<128x128xf32, #tpu.memory_space<hbm>>
    %dma_start3A_1094 = tpu.memref_slice %arg9[%dma_start3A_1087] : memref<7x!tpu.dma_semaphore, #tpu.memory_space<semaphore_mem>> -> memref<1x!tpu.dma_semaphore, #tpu.memory_space<semaphore_mem>>
    %dma_start3A_1095 = tpu.memref_squeeze %dma_start3A_1094 : memref<1x!tpu.dma_semaphore, #tpu.memory_space<semaphore_mem>> -> memref<!tpu.dma_semaphore, #tpu.memory_space<semaphore_mem>>
    %dma_start3A_1096 = arith.constant 0 : i32
    %dma_start3A_1097 = tpu.memref_slice %arg4[%add3A_1085, %dma_start3A_1096] : memref<32768x128xf32, #tpu.memory_space<hbm>> -> memref<128x128xf32, #tpu.memory_space<hbm>>
    %dma_start3A_1098 = arith.constant 0 : i32
    %dma_start3A_1099 = arith.constant 0 : i32
    %dma_start3A_1100 = tpu.memref_slice %arg7[%dma_start3A_1086, %dma_start3A_1098, %dma_start3A_1099] : memref<7x128x128xf32, #tpu.memory_space<vmem>> -> memref<1x128x128xf32, #tpu.memory_space<vmem>>
    %dma_start3A_1101 = tpu.memref_squeeze %dma_start3A_1100 : memref<1x128x128xf32, #tpu.memory_space<vmem>> -> memref<128x128xf32, #tpu.memory_space<vmem>>
    tpu.enqueue_dma source(%dma_start3A_1101 : memref<128x128xf32, #tpu.memory_space<vmem>>) target(%dma_start3A_1097 : memref<128x128xf32, #tpu.memory_space<hbm>>) target_semaphore(%dma_start3A_1095 : memref<!tpu.dma_semaphore, #tpu.memory_space<semaphore_mem>>)
    %dma_wait3A_1102 = arith.constant 3 : i32
    %dma_wait3A_1103 = arith.constant 3 : i32
    %dma_wait3A_1104 = arith.constant 3 : i32
    %dma_wait3A_1105 = arith.constant 0 : i32
    %dma_wait3A_1106 = arith.constant 0 : i32
    %dma_wait3A_1107 = tpu.memref_slice %arg7[%dma_wait3A_1103, %dma_wait3A_1105, %dma_wait3A_1106] : memref<7x128x128xf32, #tpu.memory_space<vmem>> -> memref<1x128x128xf32, #tpu.memory_space<vmem>>
    %dma_wait3A_1108 = tpu.memref_squeeze %dma_wait3A_1107 : memref<1x128x128xf32, #tpu.memory_space<vmem>> -> memref<128x128xf32, #tpu.memory_space<vmem>>
    %dma_wait3A_1109 = arith.constant 0 : i32
    %dma_wait3A_1110 = tpu.memref_slice %arg5[%dma_wait3A_1102, %dma_wait3A_1109] : memref<8x128xi32, #tpu.memory_space<vmem>> -> memref<1x128xi32, #tpu.memory_space<vmem>>
    %dma_wait3A_1111 = tpu.memref_squeeze %dma_wait3A_1110 : memref<1x128xi32, #tpu.memory_space<vmem>> -> memref<128xi32, #tpu.memory_space<vmem>>
    %dma_wait3A_1112 = arith.constant 0 : i32
    %dma_wait3A_1113 = arith.constant 0 : i32
    %dma_wait3A_1114 = tpu.memref_slice %arg6[%dma_wait3A_1112, %dma_wait3A_1113] : memref<16x128xf32, #tpu.memory_space<vmem_shared>> -> memref<16x128xf32, #tpu.memory_space<vmem_shared>>
    %dma_wait3A_1115 = tpu.memref_slice %arg8[%dma_wait3A_1104] : memref<7x!tpu.dma_semaphore, #tpu.memory_space<semaphore_mem>> -> memref<1x!tpu.dma_semaphore, #tpu.memory_space<semaphore_mem>>
    %dma_wait3A_1116 = tpu.memref_squeeze %dma_wait3A_1115 : memref<1x!tpu.dma_semaphore, #tpu.memory_space<semaphore_mem>> -> memref<!tpu.dma_semaphore, #tpu.memory_space<semaphore_mem>>
    tpu.wait_indirect_dma semaphore(%dma_wait3A_1116 : memref<!tpu.dma_semaphore, #tpu.memory_space<semaphore_mem>>) src(%dma_wait3A_1114 : memref<16x128xf32, #tpu.memory_space<vmem_shared>>) dst(%dma_wait3A_1108 : memref<128x128xf32, #tpu.memory_space<vmem>>)
    %add3A_1117 = arith.constant 384 : i32
    %add3A_1118 = arith.addi %mul3A_2, %add3A_1117 : i32
    %dma_start3A_1119 = arith.constant 3 : i32
    %dma_start3A_1120 = arith.constant 3 : i32
    %dma_start3A_1121 = arith.constant 0 : i32
    %dma_start3A_1122 = arith.constant 0 : i32
    %dma_start3A_1123 = tpu.memref_slice %arg7[%dma_start3A_1119, %dma_start3A_1121, %dma_start3A_1122] : memref<7x128x128xf32, #tpu.memory_space<vmem>> -> memref<1x128x128xf32, #tpu.memory_space<vmem>>
    %dma_start3A_1124 = tpu.memref_squeeze %dma_start3A_1123 : memref<1x128x128xf32, #tpu.memory_space<vmem>> -> memref<128x128xf32, #tpu.memory_space<vmem>>
    %dma_start3A_1125 = arith.constant 0 : i32
    %dma_start3A_1126 = tpu.memref_slice %arg4[%add3A_1118, %dma_start3A_1125] : memref<32768x128xf32, #tpu.memory_space<hbm>> -> memref<128x128xf32, #tpu.memory_space<hbm>>
    %dma_start3A_1127 = tpu.memref_slice %arg9[%dma_start3A_1120] : memref<7x!tpu.dma_semaphore, #tpu.memory_space<semaphore_mem>> -> memref<1x!tpu.dma_semaphore, #tpu.memory_space<semaphore_mem>>
    %dma_start3A_1128 = tpu.memref_squeeze %dma_start3A_1127 : memref<1x!tpu.dma_semaphore, #tpu.memory_space<semaphore_mem>> -> memref<!tpu.dma_semaphore, #tpu.memory_space<semaphore_mem>>
    %dma_start3A_1129 = arith.constant 0 : i32
    %dma_start3A_1130 = tpu.memref_slice %arg4[%add3A_1118, %dma_start3A_1129] : memref<32768x128xf32, #tpu.memory_space<hbm>> -> memref<128x128xf32, #tpu.memory_space<hbm>>
    %dma_start3A_1131 = arith.constant 0 : i32
    %dma_start3A_1132 = arith.constant 0 : i32
    %dma_start3A_1133 = tpu.memref_slice %arg7[%dma_start3A_1119, %dma_start3A_1131, %dma_start3A_1132] : memref<7x128x128xf32, #tpu.memory_space<vmem>> -> memref<1x128x128xf32, #tpu.memory_space<vmem>>
    %dma_start3A_1134 = tpu.memref_squeeze %dma_start3A_1133 : memref<1x128x128xf32, #tpu.memory_space<vmem>> -> memref<128x128xf32, #tpu.memory_space<vmem>>
    tpu.enqueue_dma source(%dma_start3A_1134 : memref<128x128xf32, #tpu.memory_space<vmem>>) target(%dma_start3A_1130 : memref<128x128xf32, #tpu.memory_space<hbm>>) target_semaphore(%dma_start3A_1128 : memref<!tpu.dma_semaphore, #tpu.memory_space<semaphore_mem>>)
    %dma_wait3A_1135 = arith.constant 4 : i32
    %dma_wait3A_1136 = arith.constant 4 : i32
    %dma_wait3A_1137 = arith.constant 4 : i32
    %dma_wait3A_1138 = arith.constant 0 : i32
    %dma_wait3A_1139 = arith.constant 0 : i32
    %dma_wait3A_1140 = tpu.memref_slice %arg7[%dma_wait3A_1136, %dma_wait3A_1138, %dma_wait3A_1139] : memref<7x128x128xf32, #tpu.memory_space<vmem>> -> memref<1x128x128xf32, #tpu.memory_space<vmem>>
    %dma_wait3A_1141 = tpu.memref_squeeze %dma_wait3A_1140 : memref<1x128x128xf32, #tpu.memory_space<vmem>> -> memref<128x128xf32, #tpu.memory_space<vmem>>
    %dma_wait3A_1142 = arith.constant 0 : i32
    %dma_wait3A_1143 = tpu.memref_slice %arg5[%dma_wait3A_1135, %dma_wait3A_1142] : memref<8x128xi32, #tpu.memory_space<vmem>> -> memref<1x128xi32, #tpu.memory_space<vmem>>
    %dma_wait3A_1144 = tpu.memref_squeeze %dma_wait3A_1143 : memref<1x128xi32, #tpu.memory_space<vmem>> -> memref<128xi32, #tpu.memory_space<vmem>>
    %dma_wait3A_1145 = arith.constant 0 : i32
    %dma_wait3A_1146 = arith.constant 0 : i32
    %dma_wait3A_1147 = tpu.memref_slice %arg6[%dma_wait3A_1145, %dma_wait3A_1146] : memref<16x128xf32, #tpu.memory_space<vmem_shared>> -> memref<16x128xf32, #tpu.memory_space<vmem_shared>>
    %dma_wait3A_1148 = tpu.memref_slice %arg8[%dma_wait3A_1137] : memref<7x!tpu.dma_semaphore, #tpu.memory_space<semaphore_mem>> -> memref<1x!tpu.dma_semaphore, #tpu.memory_space<semaphore_mem>>
    %dma_wait3A_1149 = tpu.memref_squeeze %dma_wait3A_1148 : memref<1x!tpu.dma_semaphore, #tpu.memory_space<semaphore_mem>> -> memref<!tpu.dma_semaphore, #tpu.memory_space<semaphore_mem>>
    tpu.wait_indirect_dma semaphore(%dma_wait3A_1149 : memref<!tpu.dma_semaphore, #tpu.memory_space<semaphore_mem>>) src(%dma_wait3A_1147 : memref<16x128xf32, #tpu.memory_space<vmem_shared>>) dst(%dma_wait3A_1141 : memref<128x128xf32, #tpu.memory_space<vmem>>)
    %add3A_1150 = arith.constant 512 : i32
    %add3A_1151 = arith.addi %mul3A_2, %add3A_1150 : i32
    %dma_start3A_1152 = arith.constant 4 : i32
    %dma_start3A_1153 = arith.constant 4 : i32
    %dma_start3A_1154 = arith.constant 0 : i32
    %dma_start3A_1155 = arith.constant 0 : i32
    %dma_start3A_1156 = tpu.memref_slice %arg7[%dma_start3A_1152, %dma_start3A_1154, %dma_start3A_1155] : memref<7x128x128xf32, #tpu.memory_space<vmem>> -> memref<1x128x128xf32, #tpu.memory_space<vmem>>
    %dma_start3A_1157 = tpu.memref_squeeze %dma_start3A_1156 : memref<1x128x128xf32, #tpu.memory_space<vmem>> -> memref<128x128xf32, #tpu.memory_space<vmem>>
    %dma_start3A_1158 = arith.constant 0 : i32
    %dma_start3A_1159 = tpu.memref_slice %arg4[%add3A_1151, %dma_start3A_1158] : memref<32768x128xf32, #tpu.memory_space<hbm>> -> memref<128x128xf32, #tpu.memory_space<hbm>>
    %dma_start3A_1160 = tpu.memref_slice %arg9[%dma_start3A_1153] : memref<7x!tpu.dma_semaphore, #tpu.memory_space<semaphore_mem>> -> memref<1x!tpu.dma_semaphore, #tpu.memory_space<semaphore_mem>>
    %dma_start3A_1161 = tpu.memref_squeeze %dma_start3A_1160 : memref<1x!tpu.dma_semaphore, #tpu.memory_space<semaphore_mem>> -> memref<!tpu.dma_semaphore, #tpu.memory_space<semaphore_mem>>
    %dma_start3A_1162 = arith.constant 0 : i32
    %dma_start3A_1163 = tpu.memref_slice %arg4[%add3A_1151, %dma_start3A_1162] : memref<32768x128xf32, #tpu.memory_space<hbm>> -> memref<128x128xf32, #tpu.memory_space<hbm>>
    %dma_start3A_1164 = arith.constant 0 : i32
    %dma_start3A_1165 = arith.constant 0 : i32
    %dma_start3A_1166 = tpu.memref_slice %arg7[%dma_start3A_1152, %dma_start3A_1164, %dma_start3A_1165] : memref<7x128x128xf32, #tpu.memory_space<vmem>> -> memref<1x128x128xf32, #tpu.memory_space<vmem>>
    %dma_start3A_1167 = tpu.memref_squeeze %dma_start3A_1166 : memref<1x128x128xf32, #tpu.memory_space<vmem>> -> memref<128x128xf32, #tpu.memory_space<vmem>>
    tpu.enqueue_dma source(%dma_start3A_1167 : memref<128x128xf32, #tpu.memory_space<vmem>>) target(%dma_start3A_1163 : memref<128x128xf32, #tpu.memory_space<hbm>>) target_semaphore(%dma_start3A_1161 : memref<!tpu.dma_semaphore, #tpu.memory_space<semaphore_mem>>)
    %dma_wait3A_1168 = arith.constant 5 : i32
    %dma_wait3A_1169 = arith.constant 5 : i32
    %dma_wait3A_1170 = arith.constant 5 : i32
    %dma_wait3A_1171 = arith.constant 0 : i32
    %dma_wait3A_1172 = arith.constant 0 : i32
    %dma_wait3A_1173 = tpu.memref_slice %arg7[%dma_wait3A_1169, %dma_wait3A_1171, %dma_wait3A_1172] : memref<7x128x128xf32, #tpu.memory_space<vmem>> -> memref<1x128x128xf32, #tpu.memory_space<vmem>>
    %dma_wait3A_1174 = tpu.memref_squeeze %dma_wait3A_1173 : memref<1x128x128xf32, #tpu.memory_space<vmem>> -> memref<128x128xf32, #tpu.memory_space<vmem>>
    %dma_wait3A_1175 = arith.constant 0 : i32
    %dma_wait3A_1176 = tpu.memref_slice %arg5[%dma_wait3A_1168, %dma_wait3A_1175] : memref<8x128xi32, #tpu.memory_space<vmem>> -> memref<1x128xi32, #tpu.memory_space<vmem>>
    %dma_wait3A_1177 = tpu.memref_squeeze %dma_wait3A_1176 : memref<1x128xi32, #tpu.memory_space<vmem>> -> memref<128xi32, #tpu.memory_space<vmem>>
    %dma_wait3A_1178 = arith.constant 0 : i32
    %dma_wait3A_1179 = arith.constant 0 : i32
    %dma_wait3A_1180 = tpu.memref_slice %arg6[%dma_wait3A_1178, %dma_wait3A_1179] : memref<16x128xf32, #tpu.memory_space<vmem_shared>> -> memref<16x128xf32, #tpu.memory_space<vmem_shared>>
    %dma_wait3A_1181 = tpu.memref_slice %arg8[%dma_wait3A_1170] : memref<7x!tpu.dma_semaphore, #tpu.memory_space<semaphore_mem>> -> memref<1x!tpu.dma_semaphore, #tpu.memory_space<semaphore_mem>>
    %dma_wait3A_1182 = tpu.memref_squeeze %dma_wait3A_1181 : memref<1x!tpu.dma_semaphore, #tpu.memory_space<semaphore_mem>> -> memref<!tpu.dma_semaphore, #tpu.memory_space<semaphore_mem>>
    tpu.wait_indirect_dma semaphore(%dma_wait3A_1182 : memref<!tpu.dma_semaphore, #tpu.memory_space<semaphore_mem>>) src(%dma_wait3A_1180 : memref<16x128xf32, #tpu.memory_space<vmem_shared>>) dst(%dma_wait3A_1174 : memref<128x128xf32, #tpu.memory_space<vmem>>)
    %add3A_1183 = arith.constant 640 : i32
    %add3A_1184 = arith.addi %mul3A_2, %add3A_1183 : i32
    %dma_start3A_1185 = arith.constant 5 : i32
    %dma_start3A_1186 = arith.constant 5 : i32
    %dma_start3A_1187 = arith.constant 0 : i32
    %dma_start3A_1188 = arith.constant 0 : i32
    %dma_start3A_1189 = tpu.memref_slice %arg7[%dma_start3A_1185, %dma_start3A_1187, %dma_start3A_1188] : memref<7x128x128xf32, #tpu.memory_space<vmem>> -> memref<1x128x128xf32, #tpu.memory_space<vmem>>
    %dma_start3A_1190 = tpu.memref_squeeze %dma_start3A_1189 : memref<1x128x128xf32, #tpu.memory_space<vmem>> -> memref<128x128xf32, #tpu.memory_space<vmem>>
    %dma_start3A_1191 = arith.constant 0 : i32
    %dma_start3A_1192 = tpu.memref_slice %arg4[%add3A_1184, %dma_start3A_1191] : memref<32768x128xf32, #tpu.memory_space<hbm>> -> memref<128x128xf32, #tpu.memory_space<hbm>>
    %dma_start3A_1193 = tpu.memref_slice %arg9[%dma_start3A_1186] : memref<7x!tpu.dma_semaphore, #tpu.memory_space<semaphore_mem>> -> memref<1x!tpu.dma_semaphore, #tpu.memory_space<semaphore_mem>>
    %dma_start3A_1194 = tpu.memref_squeeze %dma_start3A_1193 : memref<1x!tpu.dma_semaphore, #tpu.memory_space<semaphore_mem>> -> memref<!tpu.dma_semaphore, #tpu.memory_space<semaphore_mem>>
    %dma_start3A_1195 = arith.constant 0 : i32
    %dma_start3A_1196 = tpu.memref_slice %arg4[%add3A_1184, %dma_start3A_1195] : memref<32768x128xf32, #tpu.memory_space<hbm>> -> memref<128x128xf32, #tpu.memory_space<hbm>>
    %dma_start3A_1197 = arith.constant 0 : i32
    %dma_start3A_1198 = arith.constant 0 : i32
    %dma_start3A_1199 = tpu.memref_slice %arg7[%dma_start3A_1185, %dma_start3A_1197, %dma_start3A_1198] : memref<7x128x128xf32, #tpu.memory_space<vmem>> -> memref<1x128x128xf32, #tpu.memory_space<vmem>>
    %dma_start3A_1200 = tpu.memref_squeeze %dma_start3A_1199 : memref<1x128x128xf32, #tpu.memory_space<vmem>> -> memref<128x128xf32, #tpu.memory_space<vmem>>
    tpu.enqueue_dma source(%dma_start3A_1200 : memref<128x128xf32, #tpu.memory_space<vmem>>) target(%dma_start3A_1196 : memref<128x128xf32, #tpu.memory_space<hbm>>) target_semaphore(%dma_start3A_1194 : memref<!tpu.dma_semaphore, #tpu.memory_space<semaphore_mem>>)
    %dma_wait3A_1201 = arith.constant 6 : i32
    %dma_wait3A_1202 = arith.constant 6 : i32
    %dma_wait3A_1203 = arith.constant 6 : i32
    %dma_wait3A_1204 = arith.constant 0 : i32
    %dma_wait3A_1205 = arith.constant 0 : i32
    %dma_wait3A_1206 = tpu.memref_slice %arg7[%dma_wait3A_1202, %dma_wait3A_1204, %dma_wait3A_1205] : memref<7x128x128xf32, #tpu.memory_space<vmem>> -> memref<1x128x128xf32, #tpu.memory_space<vmem>>
    %dma_wait3A_1207 = tpu.memref_squeeze %dma_wait3A_1206 : memref<1x128x128xf32, #tpu.memory_space<vmem>> -> memref<128x128xf32, #tpu.memory_space<vmem>>
    %dma_wait3A_1208 = arith.constant 0 : i32
    %dma_wait3A_1209 = tpu.memref_slice %arg5[%dma_wait3A_1201, %dma_wait3A_1208] : memref<8x128xi32, #tpu.memory_space<vmem>> -> memref<1x128xi32, #tpu.memory_space<vmem>>
    %dma_wait3A_1210 = tpu.memref_squeeze %dma_wait3A_1209 : memref<1x128xi32, #tpu.memory_space<vmem>> -> memref<128xi32, #tpu.memory_space<vmem>>
    %dma_wait3A_1211 = arith.constant 0 : i32
    %dma_wait3A_1212 = arith.constant 0 : i32
    %dma_wait3A_1213 = tpu.memref_slice %arg6[%dma_wait3A_1211, %dma_wait3A_1212] : memref<16x128xf32, #tpu.memory_space<vmem_shared>> -> memref<16x128xf32, #tpu.memory_space<vmem_shared>>
    %dma_wait3A_1214 = tpu.memref_slice %arg8[%dma_wait3A_1203] : memref<7x!tpu.dma_semaphore, #tpu.memory_space<semaphore_mem>> -> memref<1x!tpu.dma_semaphore, #tpu.memory_space<semaphore_mem>>
    %dma_wait3A_1215 = tpu.memref_squeeze %dma_wait3A_1214 : memref<1x!tpu.dma_semaphore, #tpu.memory_space<semaphore_mem>> -> memref<!tpu.dma_semaphore, #tpu.memory_space<semaphore_mem>>
    tpu.wait_indirect_dma semaphore(%dma_wait3A_1215 : memref<!tpu.dma_semaphore, #tpu.memory_space<semaphore_mem>>) src(%dma_wait3A_1213 : memref<16x128xf32, #tpu.memory_space<vmem_shared>>) dst(%dma_wait3A_1207 : memref<128x128xf32, #tpu.memory_space<vmem>>)
    %add3A_1216 = arith.constant 768 : i32
    %add3A_1217 = arith.addi %mul3A_2, %add3A_1216 : i32
    %dma_start3A_1218 = arith.constant 6 : i32
    %dma_start3A_1219 = arith.constant 6 : i32
    %dma_start3A_1220 = arith.constant 0 : i32
    %dma_start3A_1221 = arith.constant 0 : i32
    %dma_start3A_1222 = tpu.memref_slice %arg7[%dma_start3A_1218, %dma_start3A_1220, %dma_start3A_1221] : memref<7x128x128xf32, #tpu.memory_space<vmem>> -> memref<1x128x128xf32, #tpu.memory_space<vmem>>
    %dma_start3A_1223 = tpu.memref_squeeze %dma_start3A_1222 : memref<1x128x128xf32, #tpu.memory_space<vmem>> -> memref<128x128xf32, #tpu.memory_space<vmem>>
    %dma_start3A_1224 = arith.constant 0 : i32
    %dma_start3A_1225 = tpu.memref_slice %arg4[%add3A_1217, %dma_start3A_1224] : memref<32768x128xf32, #tpu.memory_space<hbm>> -> memref<128x128xf32, #tpu.memory_space<hbm>>
    %dma_start3A_1226 = tpu.memref_slice %arg9[%dma_start3A_1219] : memref<7x!tpu.dma_semaphore, #tpu.memory_space<semaphore_mem>> -> memref<1x!tpu.dma_semaphore, #tpu.memory_space<semaphore_mem>>
    %dma_start3A_1227 = tpu.memref_squeeze %dma_start3A_1226 : memref<1x!tpu.dma_semaphore, #tpu.memory_space<semaphore_mem>> -> memref<!tpu.dma_semaphore, #tpu.memory_space<semaphore_mem>>
    %dma_start3A_1228 = arith.constant 0 : i32
    %dma_start3A_1229 = tpu.memref_slice %arg4[%add3A_1217, %dma_start3A_1228] : memref<32768x128xf32, #tpu.memory_space<hbm>> -> memref<128x128xf32, #tpu.memory_space<hbm>>
    %dma_start3A_1230 = arith.constant 0 : i32
    %dma_start3A_1231 = arith.constant 0 : i32
    %dma_start3A_1232 = tpu.memref_slice %arg7[%dma_start3A_1218, %dma_start3A_1230, %dma_start3A_1231] : memref<7x128x128xf32, #tpu.memory_space<vmem>> -> memref<1x128x128xf32, #tpu.memory_space<vmem>>
    %dma_start3A_1233 = tpu.memref_squeeze %dma_start3A_1232 : memref<1x128x128xf32, #tpu.memory_space<vmem>> -> memref<128x128xf32, #tpu.memory_space<vmem>>
    tpu.enqueue_dma source(%dma_start3A_1233 : memref<128x128xf32, #tpu.memory_space<vmem>>) target(%dma_start3A_1229 : memref<128x128xf32, #tpu.memory_space<hbm>>) target_semaphore(%dma_start3A_1227 : memref<!tpu.dma_semaphore, #tpu.memory_space<semaphore_mem>>)
    %dma_wait3A_1234 = arith.constant 0 : i32
    %dma_wait3A_1235 = arith.constant 0 : i32
    %dma_wait3A_1236 = arith.constant 0 : i32
    %dma_wait3A_1237 = arith.constant 0 : i32
    %dma_wait3A_1238 = tpu.memref_slice %arg7[%dma_wait3A_1234, %dma_wait3A_1236, %dma_wait3A_1237] : memref<7x128x128xf32, #tpu.memory_space<vmem>> -> memref<1x128x128xf32, #tpu.memory_space<vmem>>
    %dma_wait3A_1239 = tpu.memref_squeeze %dma_wait3A_1238 : memref<1x128x128xf32, #tpu.memory_space<vmem>> -> memref<128x128xf32, #tpu.memory_space<vmem>>
    %dma_wait3A_1240 = arith.constant 0 : i32
    %dma_wait3A_1241 = tpu.memref_slice %arg4[%add3A_1019, %dma_wait3A_1240] : memref<32768x128xf32, #tpu.memory_space<hbm>> -> memref<128x128xf32, #tpu.memory_space<hbm>>
    %dma_wait3A_1242 = tpu.memref_slice %arg9[%dma_wait3A_1235] : memref<7x!tpu.dma_semaphore, #tpu.memory_space<semaphore_mem>> -> memref<1x!tpu.dma_semaphore, #tpu.memory_space<semaphore_mem>>
    %dma_wait3A_1243 = tpu.memref_squeeze %dma_wait3A_1242 : memref<1x!tpu.dma_semaphore, #tpu.memory_space<semaphore_mem>> -> memref<!tpu.dma_semaphore, #tpu.memory_space<semaphore_mem>>
    %dma_wait3A_1244 = arith.constant 0 : i32
    %dma_wait3A_1245 = tpu.memref_slice %arg4[%add3A_1019, %dma_wait3A_1244] : memref<32768x128xf32, #tpu.memory_space<hbm>> -> memref<128x128xf32, #tpu.memory_space<hbm>>
    %dma_wait3A_1246 = arith.constant 0 : i32
    %dma_wait3A_1247 = arith.constant 0 : i32
    %dma_wait3A_1248 = tpu.memref_slice %arg7[%dma_wait3A_1234, %dma_wait3A_1246, %dma_wait3A_1247] : memref<7x128x128xf32, #tpu.memory_space<vmem>> -> memref<1x128x128xf32, #tpu.memory_space<vmem>>
    %dma_wait3A_1249 = tpu.memref_squeeze %dma_wait3A_1248 : memref<1x128x128xf32, #tpu.memory_space<vmem>> -> memref<128x128xf32, #tpu.memory_space<vmem>>
    tpu.wait_dma2 semaphore(%dma_wait3A_1243 : memref<!tpu.dma_semaphore, #tpu.memory_space<semaphore_mem>>) src(%dma_wait3A_1249 : memref<128x128xf32, #tpu.memory_space<vmem>>) dst(%dma_wait3A_1245 : memref<128x128xf32, #tpu.memory_space<hbm>>)
    %dma_start3A_1250 = arith.constant 7 : i32
    %dma_start3A_1251 = arith.constant 0 : i32
    %dma_start3A_1252 = arith.constant 0 : i32
    %dma_start3A_1253 = arith.constant 0 : i32
    %dma_start3A_1254 = arith.constant 0 : i32
    %dma_start3A_1255 = tpu.memref_slice %arg7[%dma_start3A_1251, %dma_start3A_1253, %dma_start3A_1254] : memref<7x128x128xf32, #tpu.memory_space<vmem>> -> memref<1x128x128xf32, #tpu.memory_space<vmem>>
    %dma_start3A_1256 = tpu.memref_squeeze %dma_start3A_1255 : memref<1x128x128xf32, #tpu.memory_space<vmem>> -> memref<128x128xf32, #tpu.memory_space<vmem>>
    %dma_start3A_1257 = arith.constant 0 : i32
    %dma_start3A_1258 = tpu.memref_slice %arg5[%dma_start3A_1250, %dma_start3A_1257] : memref<8x128xi32, #tpu.memory_space<vmem>> -> memref<1x128xi32, #tpu.memory_space<vmem>>
    %dma_start3A_1259 = tpu.memref_squeeze %dma_start3A_1258 : memref<1x128xi32, #tpu.memory_space<vmem>> -> memref<128xi32, #tpu.memory_space<vmem>>
    %dma_start3A_1260 = arith.constant 0 : i32
    %dma_start3A_1261 = arith.constant 0 : i32
    %dma_start3A_1262 = tpu.memref_slice %arg6[%dma_start3A_1260, %dma_start3A_1261] : memref<16x128xf32, #tpu.memory_space<vmem_shared>> -> memref<16x128xf32, #tpu.memory_space<vmem_shared>>
    %dma_start3A_1263 = tpu.memref_slice %arg8[%dma_start3A_1252] : memref<7x!tpu.dma_semaphore, #tpu.memory_space<semaphore_mem>> -> memref<1x!tpu.dma_semaphore, #tpu.memory_space<semaphore_mem>>
    %dma_start3A_1264 = tpu.memref_squeeze %dma_start3A_1263 : memref<1x!tpu.dma_semaphore, #tpu.memory_space<semaphore_mem>> -> memref<!tpu.dma_semaphore, #tpu.memory_space<semaphore_mem>>
    tpu.enqueue_indirect_dma source(%dma_start3A_1262 : memref<16x128xf32, #tpu.memory_space<vmem_shared>>) target(%dma_start3A_1256 : memref<128x128xf32, #tpu.memory_space<vmem>>) offsets(%dma_start3A_1259 : memref<128xi32, #tpu.memory_space<vmem>>) semaphore(%dma_start3A_1264 : memref<!tpu.dma_semaphore, #tpu.memory_space<semaphore_mem>>)
    %dma_wait3A_1265 = arith.constant 7 : i32
    %dma_wait3A_1266 = arith.constant 0 : i32
    %dma_wait3A_1267 = arith.constant 0 : i32
    %dma_wait3A_1268 = arith.constant 0 : i32
    %dma_wait3A_1269 = arith.constant 0 : i32
    %dma_wait3A_1270 = tpu.memref_slice %arg7[%dma_wait3A_1266, %dma_wait3A_1268, %dma_wait3A_1269] : memref<7x128x128xf32, #tpu.memory_space<vmem>> -> memref<1x128x128xf32, #tpu.memory_space<vmem>>
    %dma_wait3A_1271 = tpu.memref_squeeze %dma_wait3A_1270 : memref<1x128x128xf32, #tpu.memory_space<vmem>> -> memref<128x128xf32, #tpu.memory_space<vmem>>
    %dma_wait3A_1272 = arith.constant 0 : i32
    %dma_wait3A_1273 = tpu.memref_slice %arg5[%dma_wait3A_1265, %dma_wait3A_1272] : memref<8x128xi32, #tpu.memory_space<vmem>> -> memref<1x128xi32, #tpu.memory_space<vmem>>
    %dma_wait3A_1274 = tpu.memref_squeeze %dma_wait3A_1273 : memref<1x128xi32, #tpu.memory_space<vmem>> -> memref<128xi32, #tpu.memory_space<vmem>>
    %dma_wait3A_1275 = arith.constant 0 : i32
    %dma_wait3A_1276 = arith.constant 0 : i32
    %dma_wait3A_1277 = tpu.memref_slice %arg6[%dma_wait3A_1275, %dma_wait3A_1276] : memref<16x128xf32, #tpu.memory_space<vmem_shared>> -> memref<16x128xf32, #tpu.memory_space<vmem_shared>>
    %dma_wait3A_1278 = tpu.memref_slice %arg8[%dma_wait3A_1267] : memref<7x!tpu.dma_semaphore, #tpu.memory_space<semaphore_mem>> -> memref<1x!tpu.dma_semaphore, #tpu.memory_space<semaphore_mem>>
    %dma_wait3A_1279 = tpu.memref_squeeze %dma_wait3A_1278 : memref<1x!tpu.dma_semaphore, #tpu.memory_space<semaphore_mem>> -> memref<!tpu.dma_semaphore, #tpu.memory_space<semaphore_mem>>
    tpu.wait_indirect_dma semaphore(%dma_wait3A_1279 : memref<!tpu.dma_semaphore, #tpu.memory_space<semaphore_mem>>) src(%dma_wait3A_1277 : memref<16x128xf32, #tpu.memory_space<vmem_shared>>) dst(%dma_wait3A_1271 : memref<128x128xf32, #tpu.memory_space<vmem>>)
    %add3A_1280 = arith.constant 896 : i32
    %add3A_1281 = arith.addi %mul3A_2, %add3A_1280 : i32
    %dma_start3A_1282 = arith.constant 0 : i32
    %dma_start3A_1283 = arith.constant 0 : i32
    %dma_start3A_1284 = arith.constant 0 : i32
    %dma_start3A_1285 = arith.constant 0 : i32
    %dma_start3A_1286 = tpu.memref_slice %arg7[%dma_start3A_1282, %dma_start3A_1284, %dma_start3A_1285] : memref<7x128x128xf32, #tpu.memory_space<vmem>> -> memref<1x128x128xf32, #tpu.memory_space<vmem>>
    %dma_start3A_1287 = tpu.memref_squeeze %dma_start3A_1286 : memref<1x128x128xf32, #tpu.memory_space<vmem>> -> memref<128x128xf32, #tpu.memory_space<vmem>>
    %dma_start3A_1288 = arith.constant 0 : i32
    %dma_start3A_1289 = tpu.memref_slice %arg4[%add3A_1281, %dma_start3A_1288] : memref<32768x128xf32, #tpu.memory_space<hbm>> -> memref<128x128xf32, #tpu.memory_space<hbm>>
    %dma_start3A_1290 = tpu.memref_slice %arg9[%dma_start3A_1283] : memref<7x!tpu.dma_semaphore, #tpu.memory_space<semaphore_mem>> -> memref<1x!tpu.dma_semaphore, #tpu.memory_space<semaphore_mem>>
    %dma_start3A_1291 = tpu.memref_squeeze %dma_start3A_1290 : memref<1x!tpu.dma_semaphore, #tpu.memory_space<semaphore_mem>> -> memref<!tpu.dma_semaphore, #tpu.memory_space<semaphore_mem>>
    %dma_start3A_1292 = arith.constant 0 : i32
    %dma_start3A_1293 = tpu.memref_slice %arg4[%add3A_1281, %dma_start3A_1292] : memref<32768x128xf32, #tpu.memory_space<hbm>> -> memref<128x128xf32, #tpu.memory_space<hbm>>
    %dma_start3A_1294 = arith.constant 0 : i32
    %dma_start3A_1295 = arith.constant 0 : i32
    %dma_start3A_1296 = tpu.memref_slice %arg7[%dma_start3A_1282, %dma_start3A_1294, %dma_start3A_1295] : memref<7x128x128xf32, #tpu.memory_space<vmem>> -> memref<1x128x128xf32, #tpu.memory_space<vmem>>
    %dma_start3A_1297 = tpu.memref_squeeze %dma_start3A_1296 : memref<1x128x128xf32, #tpu.memory_space<vmem>> -> memref<128x128xf32, #tpu.memory_space<vmem>>
    tpu.enqueue_dma source(%dma_start3A_1297 : memref<128x128xf32, #tpu.memory_space<vmem>>) target(%dma_start3A_1293 : memref<128x128xf32, #tpu.memory_space<hbm>>) target_semaphore(%dma_start3A_1291 : memref<!tpu.dma_semaphore, #tpu.memory_space<semaphore_mem>>)
    %dma_wait3A_1298 = arith.constant 1 : i32
    %dma_wait3A_1299 = arith.constant 1 : i32
    %dma_wait3A_1300 = arith.constant 0 : i32
    %dma_wait3A_1301 = arith.constant 0 : i32
    %dma_wait3A_1302 = tpu.memref_slice %arg7[%dma_wait3A_1298, %dma_wait3A_1300, %dma_wait3A_1301] : memref<7x128x128xf32, #tpu.memory_space<vmem>> -> memref<1x128x128xf32, #tpu.memory_space<vmem>>
    %dma_wait3A_1303 = tpu.memref_squeeze %dma_wait3A_1302 : memref<1x128x128xf32, #tpu.memory_space<vmem>> -> memref<128x128xf32, #tpu.memory_space<vmem>>
    %dma_wait3A_1304 = arith.constant 0 : i32
    %dma_wait3A_1305 = tpu.memref_slice %arg4[%add3A_1052, %dma_wait3A_1304] : memref<32768x128xf32, #tpu.memory_space<hbm>> -> memref<128x128xf32, #tpu.memory_space<hbm>>
    %dma_wait3A_1306 = tpu.memref_slice %arg9[%dma_wait3A_1299] : memref<7x!tpu.dma_semaphore, #tpu.memory_space<semaphore_mem>> -> memref<1x!tpu.dma_semaphore, #tpu.memory_space<semaphore_mem>>
    %dma_wait3A_1307 = tpu.memref_squeeze %dma_wait3A_1306 : memref<1x!tpu.dma_semaphore, #tpu.memory_space<semaphore_mem>> -> memref<!tpu.dma_semaphore, #tpu.memory_space<semaphore_mem>>
    %dma_wait3A_1308 = arith.constant 0 : i32
    %dma_wait3A_1309 = tpu.memref_slice %arg4[%add3A_1052, %dma_wait3A_1308] : memref<32768x128xf32, #tpu.memory_space<hbm>> -> memref<128x128xf32, #tpu.memory_space<hbm>>
    %dma_wait3A_1310 = arith.constant 0 : i32
    %dma_wait3A_1311 = arith.constant 0 : i32
    %dma_wait3A_1312 = tpu.memref_slice %arg7[%dma_wait3A_1298, %dma_wait3A_1310, %dma_wait3A_1311] : memref<7x128x128xf32, #tpu.memory_space<vmem>> -> memref<1x128x128xf32, #tpu.memory_space<vmem>>
    %dma_wait3A_1313 = tpu.memref_squeeze %dma_wait3A_1312 : memref<1x128x128xf32, #tpu.memory_space<vmem>> -> memref<128x128xf32, #tpu.memory_space<vmem>>
    tpu.wait_dma2 semaphore(%dma_wait3A_1307 : memref<!tpu.dma_semaphore, #tpu.memory_space<semaphore_mem>>) src(%dma_wait3A_1313 : memref<128x128xf32, #tpu.memory_space<vmem>>) dst(%dma_wait3A_1309 : memref<128x128xf32, #tpu.memory_space<hbm>>)
    %dma_wait3A_1314 = arith.constant 2 : i32
    %dma_wait3A_1315 = arith.constant 2 : i32
    %dma_wait3A_1316 = arith.constant 0 : i32
    %dma_wait3A_1317 = arith.constant 0 : i32
    %dma_wait3A_1318 = tpu.memref_slice %arg7[%dma_wait3A_1314, %dma_wait3A_1316, %dma_wait3A_1317] : memref<7x128x128xf32, #tpu.memory_space<vmem>> -> memref<1x128x128xf32, #tpu.memory_space<vmem>>
    %dma_wait3A_1319 = tpu.memref_squeeze %dma_wait3A_1318 : memref<1x128x128xf32, #tpu.memory_space<vmem>> -> memref<128x128xf32, #tpu.memory_space<vmem>>
    %dma_wait3A_1320 = arith.constant 0 : i32
    %dma_wait3A_1321 = tpu.memref_slice %arg4[%add3A_1085, %dma_wait3A_1320] : memref<32768x128xf32, #tpu.memory_space<hbm>> -> memref<128x128xf32, #tpu.memory_space<hbm>>
    %dma_wait3A_1322 = tpu.memref_slice %arg9[%dma_wait3A_1315] : memref<7x!tpu.dma_semaphore, #tpu.memory_space<semaphore_mem>> -> memref<1x!tpu.dma_semaphore, #tpu.memory_space<semaphore_mem>>
    %dma_wait3A_1323 = tpu.memref_squeeze %dma_wait3A_1322 : memref<1x!tpu.dma_semaphore, #tpu.memory_space<semaphore_mem>> -> memref<!tpu.dma_semaphore, #tpu.memory_space<semaphore_mem>>
    %dma_wait3A_1324 = arith.constant 0 : i32
    %dma_wait3A_1325 = tpu.memref_slice %arg4[%add3A_1085, %dma_wait3A_1324] : memref<32768x128xf32, #tpu.memory_space<hbm>> -> memref<128x128xf32, #tpu.memory_space<hbm>>
    %dma_wait3A_1326 = arith.constant 0 : i32
    %dma_wait3A_1327 = arith.constant 0 : i32
    %dma_wait3A_1328 = tpu.memref_slice %arg7[%dma_wait3A_1314, %dma_wait3A_1326, %dma_wait3A_1327] : memref<7x128x128xf32, #tpu.memory_space<vmem>> -> memref<1x128x128xf32, #tpu.memory_space<vmem>>
    %dma_wait3A_1329 = tpu.memref_squeeze %dma_wait3A_1328 : memref<1x128x128xf32, #tpu.memory_space<vmem>> -> memref<128x128xf32, #tpu.memory_space<vmem>>
    tpu.wait_dma2 semaphore(%dma_wait3A_1323 : memref<!tpu.dma_semaphore, #tpu.memory_space<semaphore_mem>>) src(%dma_wait3A_1329 : memref<128x128xf32, #tpu.memory_space<vmem>>) dst(%dma_wait3A_1325 : memref<128x128xf32, #tpu.memory_space<hbm>>)
    %dma_wait3A_1330 = arith.constant 3 : i32
    %dma_wait3A_1331 = arith.constant 3 : i32
    %dma_wait3A_1332 = arith.constant 0 : i32
    %dma_wait3A_1333 = arith.constant 0 : i32
    %dma_wait3A_1334 = tpu.memref_slice %arg7[%dma_wait3A_1330, %dma_wait3A_1332, %dma_wait3A_1333] : memref<7x128x128xf32, #tpu.memory_space<vmem>> -> memref<1x128x128xf32, #tpu.memory_space<vmem>>
    %dma_wait3A_1335 = tpu.memref_squeeze %dma_wait3A_1334 : memref<1x128x128xf32, #tpu.memory_space<vmem>> -> memref<128x128xf32, #tpu.memory_space<vmem>>
    %dma_wait3A_1336 = arith.constant 0 : i32
    %dma_wait3A_1337 = tpu.memref_slice %arg4[%add3A_1118, %dma_wait3A_1336] : memref<32768x128xf32, #tpu.memory_space<hbm>> -> memref<128x128xf32, #tpu.memory_space<hbm>>
    %dma_wait3A_1338 = tpu.memref_slice %arg9[%dma_wait3A_1331] : memref<7x!tpu.dma_semaphore, #tpu.memory_space<semaphore_mem>> -> memref<1x!tpu.dma_semaphore, #tpu.memory_space<semaphore_mem>>
    %dma_wait3A_1339 = tpu.memref_squeeze %dma_wait3A_1338 : memref<1x!tpu.dma_semaphore, #tpu.memory_space<semaphore_mem>> -> memref<!tpu.dma_semaphore, #tpu.memory_space<semaphore_mem>>
    %dma_wait3A_1340 = arith.constant 0 : i32
    %dma_wait3A_1341 = tpu.memref_slice %arg4[%add3A_1118, %dma_wait3A_1340] : memref<32768x128xf32, #tpu.memory_space<hbm>> -> memref<128x128xf32, #tpu.memory_space<hbm>>
    %dma_wait3A_1342 = arith.constant 0 : i32
    %dma_wait3A_1343 = arith.constant 0 : i32
    %dma_wait3A_1344 = tpu.memref_slice %arg7[%dma_wait3A_1330, %dma_wait3A_1342, %dma_wait3A_1343] : memref<7x128x128xf32, #tpu.memory_space<vmem>> -> memref<1x128x128xf32, #tpu.memory_space<vmem>>
    %dma_wait3A_1345 = tpu.memref_squeeze %dma_wait3A_1344 : memref<1x128x128xf32, #tpu.memory_space<vmem>> -> memref<128x128xf32, #tpu.memory_space<vmem>>
    tpu.wait_dma2 semaphore(%dma_wait3A_1339 : memref<!tpu.dma_semaphore, #tpu.memory_space<semaphore_mem>>) src(%dma_wait3A_1345 : memref<128x128xf32, #tpu.memory_space<vmem>>) dst(%dma_wait3A_1341 : memref<128x128xf32, #tpu.memory_space<hbm>>)
    %dma_wait3A_1346 = arith.constant 4 : i32
    %dma_wait3A_1347 = arith.constant 4 : i32
    %dma_wait3A_1348 = arith.constant 0 : i32
    %dma_wait3A_1349 = arith.constant 0 : i32
    %dma_wait3A_1350 = tpu.memref_slice %arg7[%dma_wait3A_1346, %dma_wait3A_1348, %dma_wait3A_1349] : memref<7x128x128xf32, #tpu.memory_space<vmem>> -> memref<1x128x128xf32, #tpu.memory_space<vmem>>
    %dma_wait3A_1351 = tpu.memref_squeeze %dma_wait3A_1350 : memref<1x128x128xf32, #tpu.memory_space<vmem>> -> memref<128x128xf32, #tpu.memory_space<vmem>>
    %dma_wait3A_1352 = arith.constant 0 : i32
    %dma_wait3A_1353 = tpu.memref_slice %arg4[%add3A_1151, %dma_wait3A_1352] : memref<32768x128xf32, #tpu.memory_space<hbm>> -> memref<128x128xf32, #tpu.memory_space<hbm>>
    %dma_wait3A_1354 = tpu.memref_slice %arg9[%dma_wait3A_1347] : memref<7x!tpu.dma_semaphore, #tpu.memory_space<semaphore_mem>> -> memref<1x!tpu.dma_semaphore, #tpu.memory_space<semaphore_mem>>
    %dma_wait3A_1355 = tpu.memref_squeeze %dma_wait3A_1354 : memref<1x!tpu.dma_semaphore, #tpu.memory_space<semaphore_mem>> -> memref<!tpu.dma_semaphore, #tpu.memory_space<semaphore_mem>>
    %dma_wait3A_1356 = arith.constant 0 : i32
    %dma_wait3A_1357 = tpu.memref_slice %arg4[%add3A_1151, %dma_wait3A_1356] : memref<32768x128xf32, #tpu.memory_space<hbm>> -> memref<128x128xf32, #tpu.memory_space<hbm>>
    %dma_wait3A_1358 = arith.constant 0 : i32
    %dma_wait3A_1359 = arith.constant 0 : i32
    %dma_wait3A_1360 = tpu.memref_slice %arg7[%dma_wait3A_1346, %dma_wait3A_1358, %dma_wait3A_1359] : memref<7x128x128xf32, #tpu.memory_space<vmem>> -> memref<1x128x128xf32, #tpu.memory_space<vmem>>
    %dma_wait3A_1361 = tpu.memref_squeeze %dma_wait3A_1360 : memref<1x128x128xf32, #tpu.memory_space<vmem>> -> memref<128x128xf32, #tpu.memory_space<vmem>>
    tpu.wait_dma2 semaphore(%dma_wait3A_1355 : memref<!tpu.dma_semaphore, #tpu.memory_space<semaphore_mem>>) src(%dma_wait3A_1361 : memref<128x128xf32, #tpu.memory_space<vmem>>) dst(%dma_wait3A_1357 : memref<128x128xf32, #tpu.memory_space<hbm>>)
    %dma_wait3A_1362 = arith.constant 5 : i32
    %dma_wait3A_1363 = arith.constant 5 : i32
    %dma_wait3A_1364 = arith.constant 0 : i32
    %dma_wait3A_1365 = arith.constant 0 : i32
    %dma_wait3A_1366 = tpu.memref_slice %arg7[%dma_wait3A_1362, %dma_wait3A_1364, %dma_wait3A_1365] : memref<7x128x128xf32, #tpu.memory_space<vmem>> -> memref<1x128x128xf32, #tpu.memory_space<vmem>>
    %dma_wait3A_1367 = tpu.memref_squeeze %dma_wait3A_1366 : memref<1x128x128xf32, #tpu.memory_space<vmem>> -> memref<128x128xf32, #tpu.memory_space<vmem>>
    %dma_wait3A_1368 = arith.constant 0 : i32
    %dma_wait3A_1369 = tpu.memref_slice %arg4[%add3A_1184, %dma_wait3A_1368] : memref<32768x128xf32, #tpu.memory_space<hbm>> -> memref<128x128xf32, #tpu.memory_space<hbm>>
    %dma_wait3A_1370 = tpu.memref_slice %arg9[%dma_wait3A_1363] : memref<7x!tpu.dma_semaphore, #tpu.memory_space<semaphore_mem>> -> memref<1x!tpu.dma_semaphore, #tpu.memory_space<semaphore_mem>>
    %dma_wait3A_1371 = tpu.memref_squeeze %dma_wait3A_1370 : memref<1x!tpu.dma_semaphore, #tpu.memory_space<semaphore_mem>> -> memref<!tpu.dma_semaphore, #tpu.memory_space<semaphore_mem>>
    %dma_wait3A_1372 = arith.constant 0 : i32
    %dma_wait3A_1373 = tpu.memref_slice %arg4[%add3A_1184, %dma_wait3A_1372] : memref<32768x128xf32, #tpu.memory_space<hbm>> -> memref<128x128xf32, #tpu.memory_space<hbm>>
    %dma_wait3A_1374 = arith.constant 0 : i32
    %dma_wait3A_1375 = arith.constant 0 : i32
    %dma_wait3A_1376 = tpu.memref_slice %arg7[%dma_wait3A_1362, %dma_wait3A_1374, %dma_wait3A_1375] : memref<7x128x128xf32, #tpu.memory_space<vmem>> -> memref<1x128x128xf32, #tpu.memory_space<vmem>>
    %dma_wait3A_1377 = tpu.memref_squeeze %dma_wait3A_1376 : memref<1x128x128xf32, #tpu.memory_space<vmem>> -> memref<128x128xf32, #tpu.memory_space<vmem>>
    tpu.wait_dma2 semaphore(%dma_wait3A_1371 : memref<!tpu.dma_semaphore, #tpu.memory_space<semaphore_mem>>) src(%dma_wait3A_1377 : memref<128x128xf32, #tpu.memory_space<vmem>>) dst(%dma_wait3A_1373 : memref<128x128xf32, #tpu.memory_space<hbm>>)
    %dma_wait3A_1378 = arith.constant 6 : i32
    %dma_wait3A_1379 = arith.constant 6 : i32
    %dma_wait3A_1380 = arith.constant 0 : i32
    %dma_wait3A_1381 = arith.constant 0 : i32
    %dma_wait3A_1382 = tpu.memref_slice %arg7[%dma_wait3A_1378, %dma_wait3A_1380, %dma_wait3A_1381] : memref<7x128x128xf32, #tpu.memory_space<vmem>> -> memref<1x128x128xf32, #tpu.memory_space<vmem>>
    %dma_wait3A_1383 = tpu.memref_squeeze %dma_wait3A_1382 : memref<1x128x128xf32, #tpu.memory_space<vmem>> -> memref<128x128xf32, #tpu.memory_space<vmem>>
    %dma_wait3A_1384 = arith.constant 0 : i32
    %dma_wait3A_1385 = tpu.memref_slice %arg4[%add3A_1217, %dma_wait3A_1384] : memref<32768x128xf32, #tpu.memory_space<hbm>> -> memref<128x128xf32, #tpu.memory_space<hbm>>
    %dma_wait3A_1386 = tpu.memref_slice %arg9[%dma_wait3A_1379] : memref<7x!tpu.dma_semaphore, #tpu.memory_space<semaphore_mem>> -> memref<1x!tpu.dma_semaphore, #tpu.memory_space<semaphore_mem>>
    %dma_wait3A_1387 = tpu.memref_squeeze %dma_wait3A_1386 : memref<1x!tpu.dma_semaphore, #tpu.memory_space<semaphore_mem>> -> memref<!tpu.dma_semaphore, #tpu.memory_space<semaphore_mem>>
    %dma_wait3A_1388 = arith.constant 0 : i32
    %dma_wait3A_1389 = tpu.memref_slice %arg4[%add3A_1217, %dma_wait3A_1388] : memref<32768x128xf32, #tpu.memory_space<hbm>> -> memref<128x128xf32, #tpu.memory_space<hbm>>
    %dma_wait3A_1390 = arith.constant 0 : i32
    %dma_wait3A_1391 = arith.constant 0 : i32
    %dma_wait3A_1392 = tpu.memref_slice %arg7[%dma_wait3A_1378, %dma_wait3A_1390, %dma_wait3A_1391] : memref<7x128x128xf32, #tpu.memory_space<vmem>> -> memref<1x128x128xf32, #tpu.memory_space<vmem>>
    %dma_wait3A_1393 = tpu.memref_squeeze %dma_wait3A_1392 : memref<1x128x128xf32, #tpu.memory_space<vmem>> -> memref<128x128xf32, #tpu.memory_space<vmem>>
    tpu.wait_dma2 semaphore(%dma_wait3A_1387 : memref<!tpu.dma_semaphore, #tpu.memory_space<semaphore_mem>>) src(%dma_wait3A_1393 : memref<128x128xf32, #tpu.memory_space<vmem>>) dst(%dma_wait3A_1389 : memref<128x128xf32, #tpu.memory_space<hbm>>)
    %dma_wait3A_1394 = arith.constant 0 : i32
    %dma_wait3A_1395 = arith.constant 0 : i32
    %dma_wait3A_1396 = arith.constant 0 : i32
    %dma_wait3A_1397 = arith.constant 0 : i32
    %dma_wait3A_1398 = tpu.memref_slice %arg7[%dma_wait3A_1394, %dma_wait3A_1396, %dma_wait3A_1397] : memref<7x128x128xf32, #tpu.memory_space<vmem>> -> memref<1x128x128xf32, #tpu.memory_space<vmem>>
    %dma_wait3A_1399 = tpu.memref_squeeze %dma_wait3A_1398 : memref<1x128x128xf32, #tpu.memory_space<vmem>> -> memref<128x128xf32, #tpu.memory_space<vmem>>
    %dma_wait3A_1400 = arith.constant 0 : i32
    %dma_wait3A_1401 = tpu.memref_slice %arg4[%add3A_1281, %dma_wait3A_1400] : memref<32768x128xf32, #tpu.memory_space<hbm>> -> memref<128x128xf32, #tpu.memory_space<hbm>>
    %dma_wait3A_1402 = tpu.memref_slice %arg9[%dma_wait3A_1395] : memref<7x!tpu.dma_semaphore, #tpu.memory_space<semaphore_mem>> -> memref<1x!tpu.dma_semaphore, #tpu.memory_space<semaphore_mem>>
    %dma_wait3A_1403 = tpu.memref_squeeze %dma_wait3A_1402 : memref<1x!tpu.dma_semaphore, #tpu.memory_space<semaphore_mem>> -> memref<!tpu.dma_semaphore, #tpu.memory_space<semaphore_mem>>
    %dma_wait3A_1404 = arith.constant 0 : i32
    %dma_wait3A_1405 = tpu.memref_slice %arg4[%add3A_1281, %dma_wait3A_1404] : memref<32768x128xf32, #tpu.memory_space<hbm>> -> memref<128x128xf32, #tpu.memory_space<hbm>>
    %dma_wait3A_1406 = arith.constant 0 : i32
    %dma_wait3A_1407 = arith.constant 0 : i32
    %dma_wait3A_1408 = tpu.memref_slice %arg7[%dma_wait3A_1394, %dma_wait3A_1406, %dma_wait3A_1407] : memref<7x128x128xf32, #tpu.memory_space<vmem>> -> memref<1x128x128xf32, #tpu.memory_space<vmem>>
    %dma_wait3A_1409 = tpu.memref_squeeze %dma_wait3A_1408 : memref<1x128x128xf32, #tpu.memory_space<vmem>> -> memref<128x128xf32, #tpu.memory_space<vmem>>
    tpu.wait_dma2 semaphore(%dma_wait3A_1403 : memref<!tpu.dma_semaphore, #tpu.memory_space<semaphore_mem>>) src(%dma_wait3A_1409 : memref<128x128xf32, #tpu.memory_space<vmem>>) dst(%dma_wait3A_1405 : memref<128x128xf32, #tpu.memory_space<hbm>>)
    return
  }
}

</mosaic_0001>

<sc_bundles>
// kernel: _sc_gather_sin.3.cloned.1.call-start
scs
__scs_entry_jumppad:
0x0: {  	(pc) =	sbr.rel $0x88, $3  }
0x1: {  	(tag) =	ssettag $0x0;
	lr =	simm.s32 $0x1  }
0x2: {  	[smem:$0x3F9F] =	sst lr;
	_ =	strace $0xD0000000  }
0x3: {  	_ = 	snop  }
0x4: {  	_ = 	snop  }
0x5: {  	_ = 	snop  }
0x6: {  	_ = 	snop  }
0x7: {  	_ = 	snop  }
__scs_overlays_trampoline_lowered:
0x8: {  	[smem:$0x3FAE] =	sst s0  }
0x9: {  	[smem:$0x3FAF] =	sst s1  }
0xa: {  	[smem:$0x3FB0] =	sst s2  }
0xb: {  	[smem:$0x3FB1] =	sst s3  }
0xc: {  	[smem:$0x3FB2] =	sst s4  }
0xd: {  	[smem:$0x3FB3] =	sst s5  }
0xe: {  	[smem:$0x3FB4] =	sst s6  }
0xf: {  	[smem:$0x3FB5] =	sst s7  }
0x10: {  	[smem:$0x3FB6] =	sst s8  }
0x11: {  	[smem:$0x3FB7] =	sst s9;
	s0 =	simm.s32 @!p0 $0x0  }
0x12: {  	s1 =	sld [smem:$0x3F9D];
	s0 =	simm.s32 @p0 $0x1  }
0x13: {  	[smem:$0x3FB8] =	sst s0;
	s0 =	simm.s32 @!p1 $0x0  }
0x14: {  	s2 =	sld [smem:$0x3F9C];
	s0 =	simm.s32 @p1 $0x1  }
0x15: {  	[smem:$0x3FB9] =	sst s0;
	s0 =	simm.s32 @!p2 $0x0  }
0x16: {  	s3 =	sld [smem:$0x3FDB];
	s0 =	simm.s32 @p2 $0x1  }
0x17: {  	s4 =	simm.s32 $0x1BF5;
	[smem:$0x3FBB] =	sst s0  }
0x18: {  	s0 =	sld [smem:$0x3F9E];
	_ =	swait.ge [sflag:s4], $0x0  }
0x19: {  	s7 =	sld [smem:$0x3F9F]  }
0x1a: {  	s8 =	sadd.s32 $0xFFFFE003, lr  }
0x1b: {  	s9 =	sadd.s32 $0xFFFFFEF7, lr;
	s5 =	simm.s32 $0xFFFFFFFF;
	p2 =	slt.u32 s8, $0xFFFFF086  }
0x1c: {  	p1 =	slt.u32 s9, $0xF7A;
	s5 =	simm.s32 @!p2 $0x0  }
0x1d: {  	s5 =	simm.s32 @p1 $0x1;
	p0 =	seq.s32 s7, s2  }
0x1e: {  	s7 =	smul.u32 @!p0 $0xF7A, s2;
	p2 =	seq.s32 @!p0 s5, $0x0  }
0x1f: {  	s9 =	smul.u32 $0xF7A, s1;
	s8 =	simm.s32 @!p0 $0x1BF5;
	p2 =	por !p2, p0  }
0x20: {  	[sflag:s8] =	ssyncset.s32 @!p0 $0xFFFFF086;
	s6 =	sadd.s32 @!p0 s3, s7;
	s7 =	simm.s32 @!p0 $0x108  }
0x21: {  	s3 =	sadd.s32 s3, s9;
	s6 =	sadd.s32 @!p0 $0x88, s6;
	s7 =	simm.s32 @p2 $0x1082  }
0x22: {  	[simem:s7], [sflag:s8] =	dma.local @!p0 [hbm:s6], $0xF7A  }
0x23: {  	s9 =	sor.u32 $0xD0000000, s2;
	s6 =	simm.s32 $0x108;
	_ =	swait.ge @!p0 [sflag:s8], $0x0  }
0x24: {  	s3 =	sadd.s32 $0x88, s3;
	s6 =	simm.s32 @!p1 $0x1082;
	[sflag:s4] =	ssyncset.s32 $0xFFFFF086  }
0x25: {  	[simem:s6], [sflag:s4] =	dma.local [hbm:s3], $0xF7A  }
0x26: {  	[smem:$0x3F9F] =	sst s1;
	(tag) =	ssettag s2;
	_ =	strace s9  }
0x27: {  	s1 =	sld [smem:$0x3FAF]  }
0x28: {  	s2 =	sld [smem:$0x3FB0]  }
0x29: {  	s4 =	sld [smem:$0x3FB2]  }
0x2a: {  	p0 =	seq.s32 s5, $0x0;
	s5 =	sld [smem:$0x3FB3]  }
0x2b: {  	s6 =	sld [smem:$0x3FB4]  }
0x2c: {  	s7 =	sld [smem:$0x3FB5]  }
0x2d: {  	s3 =	simm.s32 $0x108;
	s8 =	sld [smem:$0x3FB6]  }
0x2e: {  	s3 =	simm.s32 @!p0 $0x1082;
	s9 =	sld [smem:$0x3FB7]  }
0x2f: {  	lr =	sadd.s32 s0, s3;
	s0 =	sld [smem:$0x3FAE]  }
0x30: {  	s3 =	sld [smem:$0x3FB1]  }
0x31: {  	[smem:$0x3FBA] =	sst s10  }
0x32: {  	s10 =	sld [smem:$0x3FB8];
	_ =	sdelay $0x3  }
0x33: {  	p0 =	seq.s32 s10, $0x1;
	s10 =	sld [smem:$0x3FBA];
	_ =	sdelay $0x3  }
0x34: {  	[smem:$0x3FBA] =	sst s10  }
0x35: {  	s10 =	sld [smem:$0x3FB9];
	_ =	sdelay $0x3  }
0x36: {  	p1 =	seq.s32 s10, $0x1;
	s10 =	sld [smem:$0x3FBA];
	_ =	sdelay $0x3  }
0x37: {  	[smem:$0x3FBA] =	sst s10  }
0x38: {  	s10 =	sld [smem:$0x3FBB]  }
0x39: {  	_ = 	snop;
	(pc) =	sbr.ind lr, $3  }
0x3a: {  	_ = 	snop  }
0x3b: {  	_ = 	snop  }
0x3c: {  	p2 =	seq.s32 s10, $0x1;
	s10 =	sld [smem:$0x3FBA]  }
0x3d: {  	_ =	shalt  }
0x3e: {  	_ =	shalt  }
0x3f: {  	_ =	shalt  }
0x40: {  	_ =	shalt  }
0x41: {  	_ =	shalt  }
0x42: {  	_ =	shalt  }
0x43: {  	_ =	shalt  }
0x44: {  	_ =	shalt  }
0x45: {  	_ =	shalt  }
0x46: {  	_ =	shalt  }
0x47: {  	_ =	shalt  }
0x48: {  	_ =	shalt  }
0x49: {  	_ =	shalt  }
0x4a: {  	_ =	shalt  }
0x4b: {  	_ =	shalt  }
0x4c: {  	_ =	shalt  }
0x4d: {  	_ =	shalt  }
0x4e: {  	_ =	shalt  }
0x4f: {  	_ =	shalt  }
0x50: {  	_ =	shalt  }
0x51: {  	_ =	shalt  }
0x52: {  	_ =	shalt  }
0x53: {  	_ =	shalt  }
0x54: {  	_ =	shalt  }
0x55: {  	_ =	shalt  }
0x56: {  	_ =	shalt  }
0x57: {  	_ =	shalt  }
0x58: {  	_ =	shalt  }
0x59: {  	_ =	shalt  }
0x5a: {  	_ =	shalt  }
0x5b: {  	_ =	shalt  }
0x5c: {  	_ =	shalt  }
0x5d: {  	_ =	shalt  }
0x5e: {  	_ =	shalt  }
0x5f: {  	_ =	shalt  }
0x60: {  	_ =	shalt  }
0x61: {  	_ =	shalt  }
0x62: {  	_ =	shalt  }
0x63: {  	_ =	shalt  }
0x64: {  	_ =	shalt  }
0x65: {  	_ =	shalt  }
0x66: {  	_ =	shalt  }
0x67: {  	_ =	shalt  }
0x68: {  	_ =	shalt  }
0x69: {  	_ =	shalt  }
0x6a: {  	_ =	shalt  }
0x6b: {  	_ =	shalt  }
0x6c: {  	_ =	shalt  }
0x6d: {  	_ =	shalt  }
0x6e: {  	_ =	shalt  }
0x6f: {  	_ =	shalt  }
0x70: {  	_ =	shalt  }
0x71: {  	_ =	shalt  }
0x72: {  	_ =	shalt  }
0x73: {  	_ =	shalt  }
0x74: {  	_ =	shalt  }
0x75: {  	_ =	shalt  }
0x76: {  	_ =	shalt  }
0x77: {  	_ =	shalt  }
0x78: {  	_ =	shalt  }
0x79: {  	_ =	shalt  }
0x7a: {  	_ =	shalt  }
0x7b: {  	_ =	shalt  }
0x7c: {  	_ =	shalt  }
0x7d: {  	_ =	shalt  }
0x7e: {  	_ =	shalt  }
0x7f: {  	_ =	shalt  }
0x80: {  	_ =	shalt  }
0x81: {  	_ =	shalt  }
0x82: {  	_ =	shalt  }
0x83: {  	_ =	shalt  }
0x84: {  	_ =	shalt  }
0x85: {  	_ =	shalt  }
0x86: {  	_ =	shalt  }
0x87: {  	_ =	shalt  }
.Lfunc_end0:
.L_simem_size_0:
called_computation_lowered:
.L_overlay_start_0:
0x88: {  	s2 =	sld [smem:$0x3FD9]  }
0x89: {  	s3 =	sld [smem:$0x3FFE];
	_ =	sdelay $0x1  }
0x8a: {  	s1 =	srdreg.scid  }
0x8b: {  	s0 =	sand.u32 $0x1, s1  }
0x8c: {  	s18 =	sshll.u32 s0, $0xA;
	s2 =	sadd.s32 s3, s2  }
0x8d: {  	s2 =	sadd.s32 s2, s18  }
0x8e: {  	[smem:$0x3FC6] =	sst s2  }
0x8f: {  	_ = 	snop  }
0x90: {  	s2 =	sld [smem:$0x3FC9]  }
0x91: {  	s19 =	sld [smem:$0x3FC8]  }
0x92: {  	s4 =	sld [smem:$0x3FD0];
	(tm) =	ssettm $0x1  }
0x93: {  	s5 =	sld [smem:$0x3FFB];
	_ =	sdelay $0x3  }
0x94: {  	_ =	strace s5  }
0x95: {  	s5 =	sld [smem:$0x3FFC];
	_ =	sdelay $0x3  }
0x96: {  	_ =	strace s5  }
0x97: {  	s5 =	sld [smem:$0x3FFD];
	_ =	sdelay $0x3  }
0x98: {  	_ =	strace s5  }
0x99: {  	_ =	strace $0x8FFFFFFF  }
0x9a: {  	s20 =	sld [smem:$0x3FDB];
	_ =	sdelay $0x1  }
0x9b: {  	s6 =	simm.s32 $_scs_section_size  }
0x9c: {  	s7 =	simm.s32 $_size__tile_overlayer_lowered;
	s8 =	simm.s32 $_tile_overlayer_lowered  }
0x9d: {  	s23 =	simm.s32 $0x1BFF;
	s22 =	sshll.u32 s8, $0x1;
	s5 =	sadd.s32 s6, s20  }
0x9e: {  	s9 =	simm.s32 $0x0;
	s21 =	sshll.u32 s7, $0x1;
	s7 =	sadd.s32 s22, s5  }
0x9f: {  	[timem:s9], [sflag:s23] =	dma.local [hbm:s7], s21  }
0xa0: {  	_ =	swait.ge [sflag:s23], s21  }
0xa1: {  	s6 =	ssub.s32 $0x0, s21;
	[sflag:s23] =	ssyncset.done $0x0  }
0xa2: {  	[sflag:s23] =	ssyncadd.s32 s6;
	_ =	sdelay $0x1  }
0xa3: {  	s24 =	simm.s32 $0x1B8B  }
0xa4: {  	_ =	swait.ge [sflag:s24], $0x1  }
0xa5: {  	[sflag:s24] =	ssyncset.done $0x0  }
0xa6: {  	s25 =	simm.s32 $0x1B8E;
	[sflag:s24] =	ssyncadd.s32 $0xFFFFFFFF  }
0xa7: {  	s26 =	simm.s32 $execute0_lowered;
	[smem:$0x3FD2] =	sst s25  }
0xa8: {  	s6 =	sshll.u32 s26, $0x1;
	_ =	strace $0x80000046;
	[dreg:$0x1] =	wrdreg $0xFFFFFFFF  }
0xa9: {  	s28 =	simm.s32 $_size_execute0_lowered;
	s5 =	sadd.s32 s5, s6;
	[dreg:$0x0] =	wrdreg $0x0  }
0xaa: {  	s6 =	sshll.u32 s28, $0x1;
	[dreg:$0x2] =	wrdreg s5  }
0xab: {  	[dreg:$0x3] =	wrdreg s6  }
0xac: {  	[dreg:$0x4] =	wrdreg $0xC0  }
0xad: {  	_ =	task [dreg:s9], $0x5FFFF  }
0xae: {  	[dreg:$0x1] =	wrdreg $0xFFFFFFFF  }
0xaf: {  	[dreg:$0x0] =	wrdreg $0x60  }
0xb0: {  	[dreg:$0x2] =	wrdreg s2  }
0xb1: {  	[dreg:$0x3] =	wrdreg s19  }
0xb2: {  	[dreg:$0x4] =	wrdreg s4  }
0xb3: {  	[dreg:$0x5] =	wrdreg $0x4000  }
0xb4: {  	[dreg:$0x6] =	wrdreg $0x9  }
0xb5: {  	_ =	task.clear_ibuf [dreg:s9], $0x7FFFF;
	_ =	strace $0x90000046  }
0xb6: {  	s29 =	simm.s32 $0x9;
	_ =	strace $0x80000048  }
0xb7: {  	_ =	swait.ge [sflag:s29], $0x1  }
0xb8: {  	[sflag:s29] =	ssyncadd.s32 $0xFFFFFFFF  }
0xb9: {  	_ =	strace $0x90000048  }
0xba: {  	_ =	sfence  }
0xbb: {  	s30 =	sld [smem:$0x0];
	_ =	sdelay $0x2  }
0xbc: {  	s31 =	sshll.u32 s1, $0xD;
	s1 =	sshrl.u32 s1, $0x2  }
0xbd: {  	s3 =	sand.u32 $0x4000, s31;
	s1 =	sadd.s32 s1, s30  }
0xbe: {  	s0 =	sor.u32 s3, s0;
	s1 =	sshll.u32 s1, $0x11  }
0xbf: {  	s0 =	sor.u32 s1, s0  }
0xc0: {  	s0 =	sadd.s32 $0x8F2B, s0  }
0xc1: {  	[sflag:s0] =	ssyncadd.remote.s32 $0x1  }
0xc2: {  	_ =	sfence.sel $0xFFFF  }
0xc3: {  	[dreg:$0x0] =	wrdreg $0xFFFFFFFF;
	(pc) =	sbr.abs _section_cstart, $3  }
0xc4: {  	[dreg:$0x1] =	wrdreg $0xFFFFFFFF  }
0xc5: {  	_ =	task.clear_ibuf [dreg:s9], $0x2FFFF;
	_ =	strace $0x9FFFFFFF  }
0xc6: {  	(tm) =	ssettm $0x7FFFFFFF  }
0xc7: {  	_ =	shalt  }
tec
execute0_lowered:
.L_overlay_start_1:
0x0: {  	(tag) =	ssettag $0x1  }
0x1: {  	s3 =	rddreg [dreg:$0x0]  }
0x2: {  	s0 =	rddreg [dreg:$0x1]  }
0x3: {  	s4 =	rddreg [dreg:$0x2];
	s20 =	srdreg.scid  }
0x4: {  	s5 =	stileid.u32;
	s1 =	rddreg [dreg:$0x3];
	s2 =	simm.s32 $0x0  }
0x5: {  	s9 =	simm.s32 $0x100;
	s10 =	simm.s32 $0x180;
	s11 =	simm.s32 $0x200  }
0x6: {  	s12 =	simm.s32 $0x280;
	s13 =	simm.s32 $0x300;
	s14 =	simm.s32 $0x1  }
0x7: {  	s15 =	simm.s32 $0x2;
	s16 =	simm.s32 $0x3;
	s17 =	simm.s32 $0x4  }
0x8: {  	s18 =	simm.s32 $0x5;
	s19 =	simm.s32 $0x6;
	[dreg:$0x5] =	wrdreg s0  }
0x9: {  	s28 =	simm.s32 $0xD;
	s29 =	simm.s32 $0xE;
	[smem:$0x7FF] =	sst s2  }
0xa: {  	s6 =	sand.u32 $0x1, s20;
	_ =	strace $0x80000047;
	[dreg:$0xf] =	wrdreg s9  }
0xb: {  	s7 =	sshll.u32 s5, $0x1;
	p0 =	sne.s32 s5, $0x0;
	[dreg:$0x10] =	wrdreg s10  }
0xc: {  	s5 =	simm.s32 $0xF;
	s20 =	simm.s32 $0x7;
	[dreg:$0x11] =	wrdreg s11  }
0xd: {  	s7 =	sor.u32 s6, s7;
	s6 =	ssub.s32 $0x2, s6;
	[dreg:$0x12] =	wrdreg s12  }
0xe: {  	[dreg:$0x13] =	wrdreg s13;
	s8 =	sshll.u32 s7, $0x7;
	s7 =	sshll.u32 s7, $0xE  }
0xf: {  	s25 =	sshrl.u32 s6, $0x1;
	s8 =	sadd.s32 s3, s8;
	s3 =	sadd.s32 s4, s7  }
0x10: {  	s31 =	ssub.s32 s6, s25;
	s6 =	sshrl.u32 @!p0 s1, $0x3;
	[dreg:$0x6] =	wrdreg s8  }
0x11: {  	s9 =	simm.s32 $0x8480;
	s4 =	sadd.s32 $0x800, s3;
	[dreg:$0xe] =	wrdreg s6  }
0x12: {  	s10 =	simm.s32 $0xC480;
	s21 =	sadd.s32 $0x1000, s3;
	[dreg:$0x7] =	wrdreg s4  }
0x13: {  	s11 =	simm.s32 $0x10480;
	s22 =	sadd.s32 $0x1800, s3;
	[dreg:$0x8] =	wrdreg s21  }
0x14: {  	s12 =	simm.s32 $0x14480;
	s23 =	sadd.s32 $0x2000, s3;
	[dreg:$0x9] =	wrdreg s22  }
0x15: {  	s13 =	simm.s32 $0x18480;
	s24 =	sadd.s32 $0x2800, s3;
	[dreg:$0xa] =	wrdreg s23  }
0x16: {  	s7 =	simm.s32 $0x480;
	s26 =	sadd.s32 $0x3000, s3;
	[dreg:$0xb] =	wrdreg s24  }
0x17: {  	s25 =	simm.s32 $0xB;
	s30 =	sadd.s32 $0x3800, s3;
	[dreg:$0xc] =	wrdreg s26  }
0x18: {  	s6 =	simm.s32 $0x80;
	s8 =	simm.s32 $0x4480;
	[dreg:$0xd] =	wrdreg s30  }
0x19: {  	s4 =	smax.u32 s31, $0x1;
	s21 =	simm.s32 $0x8;
	s22 =	simm.s32 $0x380  }
0x1a: {  	s23 =	simm.s32 $0x9;
	s24 =	simm.s32 $0xA;
	s26 =	simm.s32 $0xC  }
.LBB2_1:
0x1b: {  	s30 =	rddreg [dreg:$0x5]  }
0x1c: {  	s31 =	rddreg [dreg:$0xe];
	s0 =	simm.s32 @!p0 $0x1C0F  }
0x1d: {  	[spmem:s31], [sflag:s0] =	dma.local @!p0 [hbm:s30], $0x100  }
0x1e: {  	s0 =	simm.s32 @!p0 $0xF  }
0x1f: {  	_ =	swait.ge @!p0 [sflag:s0], $0x100  }
0x20: {  	[sflag:s0] =	ssyncset.done @!p0 $0x0  }
0x21: {  	[sflag:s0] =	ssyncadd.s32 @!p0 $0xFFFFFF00  }
0x22: {  	[bflag:$0x0] =	sbarrier.arrive $0xFFFF  }
0x23: {  	s30 =	rddreg [dreg:$0x6]  }
0x24: {  	[tilespmem:s2], [sflag:$0xF] =	stream.linear.gather [hbm4b:s30+s2], $0x400, $0x38;
	[tilespmem:$0x1C480] =	vst v63  }
0x25: {  	_ =	swait.ge [sflag:s5], $0x400  }
0x26: {  	[sflag:s5] =	ssyncset.done $0x0  }
0x27: {  	[sflag:s5] =	ssyncadd.s32 $0xFFFFFC00  }
0x28: {  	v0 =	vld [tilespmem:$0x0]  }
0x29: {  	v1 =	vld [tilespmem:$0x10]  }
0x2a: {  	v2 =	vld [tilespmem:$0x20]  }
0x2b: {  	v3 =	vld [tilespmem:$0x30]  }
0x2c: {  	v4 =	vld [tilespmem:$0x40]  }
0x2d: {  	v5 =	vld [tilespmem:$0x50];
	v0 =	vand.u32 $0xF, v0  }
0x2e: {  	v57 =	vld [tilespmem:$0x60];
	v56 =	vand.u32 $0xF, v1;
	[tilespmem:$0x0] =	vst v0  }
0x2f: {  	v59 =	vld [tilespmem:$0x70];
	v58 =	vand.u32 $0xF, v2;
	[tilespmem:$0x10] =	vst v56  }
0x30: {  	v61 =	vld [tilespmem:$0x80];
	v60 =	vand.u32 $0xF, v3;
	[tilespmem:$0x20] =	vst v58  }
0x31: {  	v63 =	vld [tilespmem:$0x90];
	v62 =	vand.u32 $0xF, v4;
	[tilespmem:$0x30] =	vst v60  }
0x32: {  	v9 =	vld [tilespmem:$0xA0];
	v8 =	vand.u32 $0xF, v5;
	[tilespmem:$0x40] =	vst v62  }
0x33: {  	v11 =	vld [tilespmem:$0xB0];
	v10 =	vand.u32 $0xF, v57;
	[tilespmem:$0x50] =	vst v8  }
0x34: {  	v13 =	vld [tilespmem:$0xC0];
	v12 =	vand.u32 $0xF, v59;
	[tilespmem:$0x60] =	vst v10  }
0x35: {  	v15 =	vld [tilespmem:$0xD0];
	v14 =	vand.u32 $0xF, v61;
	[tilespmem:$0x70] =	vst v12  }
0x36: {  	v17 =	vld [tilespmem:$0xE0];
	v16 =	vand.u32 $0xF, v63;
	[tilespmem:$0x80] =	vst v14  }
0x37: {  	v19 =	vld [tilespmem:$0xF0];
	v18 =	vand.u32 $0xF, v9;
	[tilespmem:$0x90] =	vst v16  }
0x38: {  	v21 =	vld [tilespmem:$0x100];
	v20 =	vand.u32 $0xF, v11;
	[tilespmem:$0xA0] =	vst v18  }
0x39: {  	v23 =	vld [tilespmem:$0x110];
	v22 =	vand.u32 $0xF, v13;
	[tilespmem:$0xB0] =	vst v20  }
0x3a: {  	v25 =	vld [tilespmem:$0x120];
	v24 =	vand.u32 $0xF, v15;
	[tilespmem:$0xC0] =	vst v22  }
0x3b: {  	v27 =	vld [tilespmem:$0x130];
	v26 =	vand.u32 $0xF, v17;
	[tilespmem:$0xD0] =	vst v24  }
0x3c: {  	v29 =	vld [tilespmem:$0x140];
	v28 =	vand.u32 $0xF, v19;
	[tilespmem:$0xE0] =	vst v26  }
0x3d: {  	v31 =	vld [tilespmem:$0x150];
	v30 =	vand.u32 $0xF, v21;
	[tilespmem:$0xF0] =	vst v28  }
0x3e: {  	v33 =	vld [tilespmem:$0x160];
	v32 =	vand.u32 $0xF, v23;
	[tilespmem:$0x100] =	vst v30  }
0x3f: {  	v35 =	vld [tilespmem:$0x170];
	v34 =	vand.u32 $0xF, v25;
	[tilespmem:$0x110] =	vst v32  }
0x40: {  	v37 =	vld [tilespmem:$0x180];
	v36 =	vand.u32 $0xF, v27;
	[tilespmem:$0x120] =	vst v34  }
0x41: {  	v39 =	vld [tilespmem:$0x190];
	v38 =	vand.u32 $0xF, v29;
	[tilespmem:$0x130] =	vst v36  }
0x42: {  	v41 =	vld [tilespmem:$0x1A0];
	v40 =	vand.u32 $0xF, v31;
	[tilespmem:$0x140] =	vst v38  }
0x43: {  	v43 =	vld [tilespmem:$0x1B0];
	v42 =	vand.u32 $0xF, v33;
	[tilespmem:$0x150] =	vst v40  }
0x44: {  	v45 =	vld [tilespmem:$0x1C0];
	v44 =	vand.u32 $0xF, v35;
	[tilespmem:$0x160] =	vst v42  }
0x45: {  	v55 =	vld [tilespmem:$0x210];
	v46 =	vand.u32 $0xF, v37;
	[tilespmem:$0x170] =	vst v44  }
0x46: {  	v47 =	vld [tilespmem:$0x1D0];
	v48 =	vand.u32 $0xF, v39;
	[tilespmem:$0x180] =	vst v46  }
0x47: {  	v49 =	vld [tilespmem:$0x1E0];
	v50 =	vand.u32 $0xF, v41;
	[tilespmem:$0x190] =	vst v48  }
0x48: {  	v51 =	vld [tilespmem:$0x1F0];
	v52 =	vand.u32 $0xF, v43;
	[tilespmem:$0x1A0] =	vst v50  }
0x49: {  	v53 =	vld [tilespmem:$0x200];
	v54 =	vand.u32 $0xF, v45;
	[tilespmem:$0x1B0] =	vst v52  }
0x4a: {  	v57 =	vld [tilespmem:$0x220];
	v7 =	vand.u32 $0xF, v55;
	[tilespmem:$0x1C0] =	vst v54  }
0x4b: {  	v59 =	vld [tilespmem:$0x230];
	v56 =	vand.u32 $0xF, v47;
	[tilespmem:$0x210] =	vst v7  }
0x4c: {  	v61 =	vld [tilespmem:$0x240];
	v58 =	vand.u32 $0xF, v49;
	[tilespmem:$0x1D0] =	vst v56  }
0x4d: {  	v63 =	vld [tilespmem:$0x250];
	v60 =	vand.u32 $0xF, v51;
	[tilespmem:$0x1E0] =	vst v58  }
0x4e: {  	v62 =	vand.u32 $0xF, v53;
	v8 =	vld [tilespmem:$0x260];
	[tilespmem:$0x1F0] =	vst v60  }
0x4f: {  	v10 =	vld [tilespmem:$0x270];
	[tilespmem:$0x200] =	vst v62;
	v9 =	vand.u32 $0xF, v57  }
0x50: {  	v12 =	vld [tilespmem:$0x280];
	v11 =	vand.u32 $0xF, v59;
	[tilespmem:$0x220] =	vst v9  }
0x51: {  	v14 =	vld [tilespmem:$0x290];
	v13 =	vand.u32 $0xF, v61;
	[tilespmem:$0x230] =	vst v11  }
0x52: {  	v16 =	vld [tilespmem:$0x2A0];
	v15 =	vand.u32 $0xF, v63;
	[tilespmem:$0x240] =	vst v13  }
0x53: {  	v18 =	vld [tilespmem:$0x2B0];
	[tilespmem:$0x250] =	vst v15;
	v17 =	vand.u32 $0xF, v8  }
0x54: {  	v20 =	vld [tilespmem:$0x2C0];
	v19 =	vand.u32 $0xF, v10;
	[tilespmem:$0x260] =	vst v17  }
0x55: {  	v22 =	vld [tilespmem:$0x2D0];
	v21 =	vand.u32 $0xF, v12;
	[tilespmem:$0x270] =	vst v19  }
0x56: {  	v24 =	vld [tilespmem:$0x2E0];
	v23 =	vand.u32 $0xF, v14;
	[tilespmem:$0x280] =	vst v21  }
0x57: {  	v26 =	vld [tilespmem:$0x2F0];
	v25 =	vand.u32 $0xF, v16;
	[tilespmem:$0x290] =	vst v23  }
0x58: {  	v28 =	vld [tilespmem:$0x300];
	v27 =	vand.u32 $0xF, v18;
	[tilespmem:$0x2A0] =	vst v25  }
0x59: {  	v30 =	vld [tilespmem:$0x310];
	v29 =	vand.u32 $0xF, v20;
	[tilespmem:$0x2B0] =	vst v27  }
0x5a: {  	v32 =	vld [tilespmem:$0x320];
	v31 =	vand.u32 $0xF, v22;
	[tilespmem:$0x2C0] =	vst v29  }
0x5b: {  	v34 =	vld [tilespmem:$0x330];
	v33 =	vand.u32 $0xF, v24;
	[tilespmem:$0x2D0] =	vst v31  }
0x5c: {  	v36 =	vld [tilespmem:$0x340];
	v35 =	vand.u32 $0xF, v26;
	[tilespmem:$0x2E0] =	vst v33  }
0x5d: {  	v38 =	vld [tilespmem:$0x350];
	v37 =	vand.u32 $0xF, v28;
	[tilespmem:$0x2F0] =	vst v35  }
0x5e: {  	v40 =	vld [tilespmem:$0x360];
	v39 =	vand.u32 $0xF, v30;
	[tilespmem:$0x300] =	vst v37  }
0x5f: {  	v42 =	vld [tilespmem:$0x370];
	v41 =	vand.u32 $0xF, v32;
	[tilespmem:$0x310] =	vst v39  }
0x60: {  	v44 =	vld [tilespmem:$0x380];
	v43 =	vand.u32 $0xF, v34;
	[tilespmem:$0x320] =	vst v41  }
0x61: {  	v46 =	vld [tilespmem:$0x390];
	v45 =	vand.u32 $0xF, v36;
	[tilespmem:$0x330] =	vst v43  }
0x62: {  	v48 =	vld [tilespmem:$0x3A0];
	v47 =	vand.u32 $0xF, v38;
	[tilespmem:$0x340] =	vst v45  }
0x63: {  	v50 =	vld [tilespmem:$0x3B0];
	v49 =	vand.u32 $0xF, v40;
	[tilespmem:$0x350] =	vst v47  }
0x64: {  	v52 =	vld [tilespmem:$0x3C0];
	v51 =	vand.u32 $0xF, v42;
	[tilespmem:$0x360] =	vst v49  }
0x65: {  	v54 =	vld [tilespmem:$0x3D0];
	v53 =	vand.u32 $0xF, v44;
	[tilespmem:$0x370] =	vst v51  }
0x66: {  	v56 =	vld [tilespmem:$0x3E0];
	v55 =	vand.u32 $0xF, v46;
	[tilespmem:$0x380] =	vst v53  }
0x67: {  	v58 =	vld [tilespmem:$0x3F0];
	v57 =	vand.u32 $0xF, v48;
	[tilespmem:$0x390] =	vst v55  }
0x68: {  	v59 =	vand.u32 $0xF, v50;
	[tilespmem:$0x3A0] =	vst v57  }
0x69: {  	v60 =	vand.u32 $0xF, v52;
	[tilespmem:$0x3B0] =	vst v59  }
0x6a: {  	v61 =	vand.u32 $0xF, v54;
	[tilespmem:$0x3C0] =	vst v60  }
0x6b: {  	[tilespmem:$0x3D0] =	vst v61;
	v62 =	vand.u32 $0xF, v56  }
0x6c: {  	v63 =	vand.u32 $0xF, v58;
	[tilespmem:$0x3E0] =	vst v62  }
0x6d: {  	[tilespmem:$0x3F0] =	vst v63  }
0x6e: {  	[tilespmem:s7], [sflag:$0x1] =	stream.indirect.gather [spmem:s1], $0x80, s2, s6, $0xb8;
	[tilespmem:$0x1C480] =	vst v63  }
0x6f: {  	_ = 	snop  }
0x70: {  	[tilespmem:s8], [sflag:$0x2] =	stream.indirect.gather [spmem:s1], $0x80, s6, s6, $0xb8;
	[tilespmem:$0x1C480] =	vst v63  }
0x71: {  	s31 =	rddreg [dreg:$0xf]  }
0x72: {  	[tilespmem:s9], [sflag:$0x3] =	stream.indirect.gather [spmem:s1], $0x80, s31, s6, $0xb8;
	[tilespmem:$0x1C480] =	vst v63  }
0x73: {  	s30 =	rddreg [dreg:$0x10]  }
0x74: {  	[tilespmem:s10], [sflag:$0x4] =	stream.indirect.gather [spmem:s1], $0x80, s30, s6, $0xb8;
	[tilespmem:$0x1C480] =	vst v63  }
0x75: {  	s31 =	rddreg [dreg:$0x11]  }
0x76: {  	[tilespmem:s11], [sflag:$0x5] =	stream.indirect.gather [spmem:s1], $0x80, s31, s6, $0xb8;
	[tilespmem:$0x1C480] =	vst v63  }
0x77: {  	s30 =	rddreg [dreg:$0x12]  }
0x78: {  	[tilespmem:s12], [sflag:$0x6] =	stream.indirect.gather [spmem:s1], $0x80, s30, s6, $0xb8;
	[tilespmem:$0x1C480] =	vst v63  }
0x79: {  	s31 =	rddreg [dreg:$0x13]  }
0x7a: {  	[tilespmem:s13], [sflag:$0x7] =	stream.indirect.gather [spmem:s1], $0x80, s31, s6, $0xb8;
	[tilespmem:$0x1C480] =	vst v63  }
0x7b: {  	_ =	swait.ge [sflag:s14], $0x4000  }
0x7c: {  	[sflag:s14] =	ssyncset.done $0x0  }
0x7d: {  	[sflag:s14] =	ssyncadd.s32 $0xFFFFC000  }
0x7e: {  	[hbm4b:s3+s2] =	stream.linear.scatter [tilespmem:s7], [sflag:$0x8], $0x4000, $0x38;
	[tilespmem:$0x1C480] =	vst v63  }
0x7f: {  	_ =	swait.ge [sflag:s15], $0x4000  }
0x80: {  	[sflag:s15] =	ssyncset.done $0x0  }
0x81: {  	s31 =	rddreg [dreg:$0x7];
	[sflag:s15] =	ssyncadd.s32 $0xFFFFC000  }
0x82: {  	[hbm4b:s31+s2] =	stream.linear.scatter [tilespmem:s8], [sflag:$0x9], $0x4000, $0x38;
	[tilespmem:$0x1C480] =	vst v63  }
0x83: {  	_ =	swait.ge [sflag:s16], $0x4000  }
0x84: {  	[sflag:s16] =	ssyncset.done $0x0  }
0x85: {  	s30 =	rddreg [dreg:$0x8];
	[sflag:s16] =	ssyncadd.s32 $0xFFFFC000  }
0x86: {  	[hbm4b:s30+s2] =	stream.linear.scatter [tilespmem:s9], [sflag:$0xA], $0x4000, $0x38;
	[tilespmem:$0x1C480] =	vst v63  }
0x87: {  	_ =	swait.ge [sflag:s17], $0x4000  }
0x88: {  	[sflag:s17] =	ssyncset.done $0x0  }
0x89: {  	s31 =	rddreg [dreg:$0x9];
	[sflag:s17] =	ssyncadd.s32 $0xFFFFC000  }
0x8a: {  	[hbm4b:s31+s2] =	stream.linear.scatter [tilespmem:s10], [sflag:$0xB], $0x4000, $0x38;
	[tilespmem:$0x1C480] =	vst v63  }
0x8b: {  	_ =	swait.ge [sflag:s18], $0x4000  }
0x8c: {  	[sflag:s18] =	ssyncset.done $0x0  }
0x8d: {  	s30 =	rddreg [dreg:$0xa];
	[sflag:s18] =	ssyncadd.s32 $0xFFFFC000  }
0x8e: {  	[hbm4b:s30+s2] =	stream.linear.scatter [tilespmem:s11], [sflag:$0xC], $0x4000, $0x38;
	[tilespmem:$0x1C480] =	vst v63  }
0x8f: {  	_ =	swait.ge [sflag:s19], $0x4000  }
0x90: {  	[sflag:s19] =	ssyncset.done $0x0  }
0x91: {  	s31 =	rddreg [dreg:$0xb];
	[sflag:s19] =	ssyncadd.s32 $0xFFFFC000  }
0x92: {  	[hbm4b:s31+s2] =	stream.linear.scatter [tilespmem:s12], [sflag:$0xD], $0x4000, $0x38;
	[tilespmem:$0x1C480] =	vst v63  }
0x93: {  	_ =	swait.ge [sflag:s20], $0x4000  }
0x94: {  	[sflag:s20] =	ssyncset.done $0x0  }
0x95: {  	s30 =	rddreg [dreg:$0xc];
	[sflag:s20] =	ssyncadd.s32 $0xFFFFC000  }
0x96: {  	[hbm4b:s30+s2] =	stream.linear.scatter [tilespmem:s13], [sflag:$0xE], $0x4000, $0x38;
	[tilespmem:$0x1C480] =	vst v63  }
0x97: {  	_ =	swait.ge [sflag:s21], $0x4000  }
0x98: {  	[sflag:s21] =	ssyncset.done $0x0  }
0x99: {  	[sflag:s21] =	ssyncadd.s32 $0xFFFFC000  }
0x9a: {  	[tilespmem:s7], [sflag:$0x1] =	stream.indirect.gather [spmem:s1], $0x80, s22, s6, $0xb8;
	[tilespmem:$0x1C480] =	vst v63  }
0x9b: {  	_ =	swait.ge [sflag:s14], $0x4000  }
0x9c: {  	[sflag:s14] =	ssyncset.done $0x0  }
0x9d: {  	s31 =	rddreg [dreg:$0xd];
	[sflag:s14] =	ssyncadd.s32 $0xFFFFC000  }
0x9e: {  	[hbm4b:s31+s2] =	stream.linear.scatter [tilespmem:s7], [sflag:$0x8], $0x4000, $0x38;
	[tilespmem:$0x1C480] =	vst v63  }
0x9f: {  	_ =	swait.ge [sflag:s23], $0x4000  }
0xa0: {  	[sflag:s23] =	ssyncset.done $0x0  }
0xa1: {  	[sflag:s23] =	ssyncadd.s32 $0xFFFFC000  }
0xa2: {  	_ =	swait.ge [sflag:s24], $0x4000  }
0xa3: {  	[sflag:s24] =	ssyncset.done $0x0  }
0xa4: {  	[sflag:s24] =	ssyncadd.s32 $0xFFFFC000  }
0xa5: {  	_ =	swait.ge [sflag:s25], $0x4000  }
0xa6: {  	[sflag:s25] =	ssyncset.done $0x0  }
0xa7: {  	[sflag:s25] =	ssyncadd.s32 $0xFFFFC000  }
0xa8: {  	_ =	swait.ge [sflag:s26], $0x4000  }
0xa9: {  	[sflag:s26] =	ssyncset.done $0x0  }
0xaa: {  	[sflag:s26] =	ssyncadd.s32 $0xFFFFC000  }
0xab: {  	_ =	swait.ge [sflag:s28], $0x4000  }
0xac: {  	[sflag:s28] =	ssyncset.done $0x0  }
0xad: {  	s4 =	sadd.s32 $0xFFFFFFFF, s4;
	[sflag:s28] =	ssyncadd.s32 $0xFFFFC000  }
0xae: {  	p1 =	sne.s32 s4, $0x0;
	_ =	swait.ge [sflag:s29], $0x4000  }
.Ltmp0:
0xaf: {  	[sflag:s29] =	ssyncset.done $0x0;
	(pc) =	sbr.rel @p1 .LBB2_1-.Ltmp0, $4  }
0xb0: {  	[sflag:s29] =	ssyncadd.s32 $0xFFFFC000  }
0xb1: {  	_ =	swait.ge [sflag:s21], $0x4000  }
0xb2: {  	[sflag:s21] =	ssyncset.done $0x0  }
0xb3: {  	[sflag:s21] =	ssyncadd.s32 $0xFFFFC000  }
0xb4: {  	_ =	sfence.sel $0x180000  }
0xb5: {  	[bflag:$0x0] =	sbarrier.arrive $0xFFFF  }
0xb6: {  	_ =	strace $0x90000047  }
0xb7: {  	[bflag:$0x2] =	sbarrier.arrive $0xFFFF  }
0xb8: {  	s0 =	rddreg [dreg:$0x4]  }
0xb9: {  	s0 =	sadd.s32 @!p0 $0x100000, s0  }
0xba: {  	[sflag:s0] =	ssyncadd.tile.s32 @!p0 $0x1;
	_ =	shalt  }
.Lfunc_end2:
_tile_overlayer_lowered:
.L_overlay_start_2:
0xbb: {  	(tag) =	ssettag $0x2  }
0xbc: {  	s0 =	rddreg [dreg:$0x0];
	s2 =	stileid.u32  }
0xbd: {  	s1 =	rddreg [dreg:$0x1];
	p0 =	sne.s32 s2, $0x0  }
0xbe: {  	s3 =	rddreg [dreg:$0x2];
	[bflag:$0x3] =	sbarrier.arrive $0xFFFF;
	s2 =	simm.s32 @!p0 $0x1C0F  }
0xbf: {  	[timem:s3], [sflag:s2] =	dma.local @!p0 [hbm:s0], s1  }
0xc0: {  	s0 =	simm.s32 @!p0 $0xF  }
0xc1: {  	_ =	swait.ge @!p0 [sflag:s0], s1  }
0xc2: {  	s1 =	ssub.s32 @!p0 $0x0, s1;
	[sflag:s0] =	ssyncset.done @!p0 $0x0  }
0xc3: {  	[sflag:s0] =	ssyncadd.s32 @!p0 s1  }
0xc4: {  	[bflag:$0x3] =	sbarrier.arrive $0xFFFF  }
0xc5: {  	_ =	shalt  }

</sc_bundles>
